<compile_context>
chip_gen: v7x
topology: tpu7x:2x2x1
jax: 0.10.2.dev20260603
libtpu: 0.0.44.dev20260713+nightly
codegen_flags: <defaults>
</compile_context>

<pallas_src>
import functools

import jax
import jax.numpy as jnp
from jax import lax
from jax.experimental import pallas as pl
from jax.experimental.pallas import tpu as pltpu
from jax.experimental.pallas import tpu_sc as plsc

_B, _T, _D = 4, 4096, 1024
_NW = 32
_TPW = _T // _NW
_R = 4
_NCH = _TPW // _R
_LANES = 16
_VPR = _D // _LANES
_DEPTH = 4


def _make_sc_kernel():
    mesh = plsc.VectorSubcoreMesh(core_axis_name="c", subcore_axis_name="s")

    @functools.partial(
        pl.kernel,
        mesh=mesh,
        out_type=jax.ShapeDtypeStruct((_B, _T, _D), jnp.float32),
        scratch_types=(
            [pltpu.VMEM((_B, _R, _D), jnp.float32)] * _DEPTH
            + [pltpu.VMEM((_R, _D), jnp.float32)] * _DEPTH
            + [pltpu.SemaphoreType.DMA] * (3 * _DEPTH)
        ),
    )
    def sc_kernel(x_hbm, pe_hbm, out_hbm,
                  x0, x1, x2, x3, p0, p1, p2, p3,
                  g0, g1, g2, g3, s0, s1, s2, s3, q0, q1, q2, q3):
        wid = lax.axis_index("s") * 2 + lax.axis_index("c")
        t0 = wid * _TPW

        xbufs = (x0, x1, x2, x3)
        pbufs = (p0, p1, p2, p3)
        gsems = (g0, g1, g2, g3)
        ssems = (s0, s1, s2, s3)
        qsems = (q0, q1, q2, q3)

        def x_src(c):
            return x_hbm.at[:, pl.ds(t0 + c * _R, _R)]

        def pe_src(c):
            return pe_hbm.at[pl.ds(t0 + c * _R, _R)]

        def out_dst(c):
            return out_hbm.at[:, pl.ds(t0 + c * _R, _R)]

        for c in range(2):
            pltpu.async_copy(x_src(c), xbufs[c], gsems[c])
            pltpu.async_copy(pe_src(c), pbufs[c], qsems[c])

        def lap_body(i, carry):
            c0 = i * _DEPTH
            for p in range(_DEPTH):
                c = c0 + p
                xbuf, pbuf = xbufs[p], pbufs[p]
                pltpu.make_async_copy(x_src(c), xbuf, gsems[p]).wait()
                pltpu.make_async_copy(pe_src(c), pbuf, qsems[p]).wait()

                for b in range(_B):
                    def row_body(r, carry3):
                        @plsc.parallel_loop(0, _VPR, unroll=16)
                        def _(j):
                            v = pbuf[r, pl.ds(j * _LANES, _LANES)]
                            plsc.addupdate(
                                xbuf.at[b, r, pl.ds(j * _LANES, _LANES)], v)
                        return carry3

                    lax.fori_loop(0, _R, row_body, 0)

                pltpu.async_copy(xbuf, out_dst(c), ssems[p])

                pn = (p + 2) % _DEPTH

                @pl.when(c + 2 < _NCH)
                def _():
                    @pl.when(c >= 2)
                    def _():
                        pltpu.make_async_copy(
                            xbufs[pn], out_dst(c - 2), ssems[pn]).wait()
                    pltpu.async_copy(x_src(c + 2), xbufs[pn], gsems[pn])
                    pltpu.async_copy(pe_src(c + 2), pbufs[pn], qsems[pn])

            return carry

        lax.fori_loop(0, _NCH // _DEPTH, lap_body, 0)
        for k in range(_DEPTH):
            c = _NCH - _DEPTH + k
            pltpu.make_async_copy(xbufs[c % _DEPTH], out_dst(c),
                                  ssems[c % _DEPTH]).wait()

    return sc_kernel


_sc_kernel = _make_sc_kernel()


def kernel(x, positional_embeddings):
    return _sc_kernel(x, positional_embeddings)

# --- scband reference (transcript-rebuilt; emitter-appended) ---
"""Pipeline reference for scband-learned-pos-embed-39788577030636 (READ-ONLY COPY).

The authoritative reference and input builder live on the scoring server;
editing this copy changes nothing except your own understanding.
"""

import jax, jax.numpy as jnp
import numpy as np

MAX_SEQ_LEN = 8192
B, T, D = 4, 4096, 1024

def setup_inputs(seed: int = 0) -> dict:
    key = jax.random.key(seed)
    k1, k2 = jax.random.split(key)
    x = jax.random.normal(k1, (B, T, D), dtype=jnp.float32)
    # TruncatedNormal(stddev=0.02) init approximated with clipped normal
    pe = jnp.clip(jax.random.normal(k2, (MAX_SEQ_LEN, D), dtype=jnp.float32) * 0.02, -0.04, 0.04)
    return {"x": x, "positional_embeddings": pe}

def reference(x, positional_embeddings):
    seq_len = x.shape[1]
    pe = positional_embeddings[:seq_len, :]
    return x + pe[None, :, :]

if __name__ == "__main__":
    import jax
    _d = setup_inputs()
    print(jax.jit(kernel)(*tuple(_d.values())))

</pallas_src>

<mosaic_0001>
#map = affine_map<(d0, d1) -> (0, 0, 0)>
#map1 = affine_map<(d0, d1) -> (0, 0)>
module attributes {stable_mosaic.version = 14 : i64} {
  func.func @sc_kernel(%arg0: i32, %arg1: i32, %arg2: memref<4x4096x1024xf32, #tpu.memory_space<hbm>>, %arg3: memref<8192x1024xf32, #tpu.memory_space<hbm>>, %arg4: memref<4x4096x1024xf32, #tpu.memory_space<hbm>>, %arg5: memref<4x4x1024xf32, #tpu.memory_space<vmem>>, %arg6: memref<4x4x1024xf32, #tpu.memory_space<vmem>>, %arg7: memref<4x4x1024xf32, #tpu.memory_space<vmem>>, %arg8: memref<4x4x1024xf32, #tpu.memory_space<vmem>>, %arg9: memref<4x1024xf32, #tpu.memory_space<vmem>>, %arg10: memref<4x1024xf32, #tpu.memory_space<vmem>>, %arg11: memref<4x1024xf32, #tpu.memory_space<vmem>>, %arg12: memref<4x1024xf32, #tpu.memory_space<vmem>>, %arg13: memref<!tpu.dma_semaphore, #tpu.memory_space<semaphore_mem>>, %arg14: memref<!tpu.dma_semaphore, #tpu.memory_space<semaphore_mem>>, %arg15: memref<!tpu.dma_semaphore, #tpu.memory_space<semaphore_mem>>, %arg16: memref<!tpu.dma_semaphore, #tpu.memory_space<semaphore_mem>>, %arg17: memref<!tpu.dma_semaphore, #tpu.memory_space<semaphore_mem>>, %arg18: memref<!tpu.dma_semaphore, #tpu.memory_space<semaphore_mem>>, %arg19: memref<!tpu.dma_semaphore, #tpu.memory_space<semaphore_mem>>, %arg20: memref<!tpu.dma_semaphore, #tpu.memory_space<semaphore_mem>>, %arg21: memref<!tpu.dma_semaphore, #tpu.memory_space<semaphore_mem>>, %arg22: memref<!tpu.dma_semaphore, #tpu.memory_space<semaphore_mem>>, %arg23: memref<!tpu.dma_semaphore, #tpu.memory_space<semaphore_mem>>, %arg24: memref<!tpu.dma_semaphore, #tpu.memory_space<semaphore_mem>>) attributes {dimension_semantics = [#tpu.dimension_semantics<core_parallel>, #tpu.dimension_semantics<subcore_parallel>], iteration_bounds = array<i64: 2, 16>, scalar_prefetch = 0 : i64, scratch_operands = 20 : i64, tpu.core_type = #tpu.core_type<sc_vector_subcore>, window_params = [{transform_indices = #map}, {transform_indices = #map1}, {transform_indices = #map}]} {
    %mul3A = arith.constant 2 : i32
    %mul3A_0 = arith.muli %arg1, %mul3A : i32
    %add3A = arith.addi %mul3A_0, %arg0 : i32
    %mul3A_1 = arith.constant 128 : i32
    %mul3A_2 = arith.muli %add3A, %mul3A_1 : i32
    %add3A_3 = arith.constant 0 : i32
    %add3A_4 = arith.addi %mul3A_2, %add3A_3 : i32
    %dma_start3A = arith.constant 0 : i32
    %dma_start3A_5 = arith.constant 0 : i32
    %dma_start3A_6 = tpu.memref_slice %arg2[%dma_start3A, %add3A_4, %dma_start3A_5] : memref<4x4096x1024xf32, #tpu.memory_space<hbm>> -> memref<4x4x1024xf32, #tpu.memory_space<hbm>>
    %dma_start3A_7 = arith.constant 0 : i32
    %dma_start3A_8 = arith.constant 0 : i32
    %dma_start3A_9 = tpu.memref_slice %arg2[%dma_start3A_7, %add3A_4, %dma_start3A_8] : memref<4x4096x1024xf32, #tpu.memory_space<hbm>> -> memref<4x4x1024xf32, #tpu.memory_space<hbm>>
    tpu.enqueue_dma source(%dma_start3A_9 : memref<4x4x1024xf32, #tpu.memory_space<hbm>>) target(%arg5 : memref<4x4x1024xf32, #tpu.memory_space<vmem>>) target_semaphore(%arg13 : memref<!tpu.dma_semaphore, #tpu.memory_space<semaphore_mem>>)
    %add3A_10 = arith.constant 0 : i32
    %add3A_11 = arith.addi %mul3A_2, %add3A_10 : i32
    %dma_start3A_12 = arith.constant 0 : i32
    %dma_start3A_13 = tpu.memref_slice %arg3[%add3A_11, %dma_start3A_12] : memref<8192x1024xf32, #tpu.memory_space<hbm>> -> memref<4x1024xf32, #tpu.memory_space<hbm>>
    %dma_start3A_14 = arith.constant 0 : i32
    %dma_start3A_15 = tpu.memref_slice %arg3[%add3A_11, %dma_start3A_14] : memref<8192x1024xf32, #tpu.memory_space<hbm>> -> memref<4x1024xf32, #tpu.memory_space<hbm>>
    tpu.enqueue_dma source(%dma_start3A_15 : memref<4x1024xf32, #tpu.memory_space<hbm>>) target(%arg9 : memref<4x1024xf32, #tpu.memory_space<vmem>>) target_semaphore(%arg21 : memref<!tpu.dma_semaphore, #tpu.memory_space<semaphore_mem>>)
    %add3A_16 = arith.constant 4 : i32
    %add3A_17 = arith.addi %mul3A_2, %add3A_16 : i32
    %dma_start3A_18 = arith.constant 0 : i32
    %dma_start3A_19 = arith.constant 0 : i32
    %dma_start3A_20 = tpu.memref_slice %arg2[%dma_start3A_18, %add3A_17, %dma_start3A_19] : memref<4x4096x1024xf32, #tpu.memory_space<hbm>> -> memref<4x4x1024xf32, #tpu.memory_space<hbm>>
    %dma_start3A_21 = arith.constant 0 : i32
    %dma_start3A_22 = arith.constant 0 : i32
    %dma_start3A_23 = tpu.memref_slice %arg2[%dma_start3A_21, %add3A_17, %dma_start3A_22] : memref<4x4096x1024xf32, #tpu.memory_space<hbm>> -> memref<4x4x1024xf32, #tpu.memory_space<hbm>>
    tpu.enqueue_dma source(%dma_start3A_23 : memref<4x4x1024xf32, #tpu.memory_space<hbm>>) target(%arg6 : memref<4x4x1024xf32, #tpu.memory_space<vmem>>) target_semaphore(%arg14 : memref<!tpu.dma_semaphore, #tpu.memory_space<semaphore_mem>>)
    %add3A_24 = arith.constant 4 : i32
    %add3A_25 = arith.addi %mul3A_2, %add3A_24 : i32
    %dma_start3A_26 = arith.constant 0 : i32
    %dma_start3A_27 = tpu.memref_slice %arg3[%add3A_25, %dma_start3A_26] : memref<8192x1024xf32, #tpu.memory_space<hbm>> -> memref<4x1024xf32, #tpu.memory_space<hbm>>
    %dma_start3A_28 = arith.constant 0 : i32
    %dma_start3A_29 = tpu.memref_slice %arg3[%add3A_25, %dma_start3A_28] : memref<8192x1024xf32, #tpu.memory_space<hbm>> -> memref<4x1024xf32, #tpu.memory_space<hbm>>
    tpu.enqueue_dma source(%dma_start3A_29 : memref<4x1024xf32, #tpu.memory_space<hbm>>) target(%arg10 : memref<4x1024xf32, #tpu.memory_space<vmem>>) target_semaphore(%arg22 : memref<!tpu.dma_semaphore, #tpu.memory_space<semaphore_mem>>)
    %scan3A = arith.constant 0 : i32
    %scan3A_30 = arith.constant 0 : i32
    %scan3A_31 = arith.constant 8 : i32
    %scan3A_32 = arith.addi %scan3A_30, %scan3A_31 : i32
    %scan3A_33 = arith.constant 1 : i32
    scf.for %scan3A_66 = %scan3A_30 to %scan3A_32 step %scan3A_33  : i32 {
      %mul3A_67 = arith.constant 4 : i32
      %mul3A_68 = arith.muli %scan3A_66, %mul3A_67 : i32
      %add3A_69 = arith.constant 0 : i32
      %add3A_70 = arith.addi %mul3A_68, %add3A_69 : i32
      %mul3A_71 = arith.constant 4 : i32
      %mul3A_72 = arith.muli %add3A_70, %mul3A_71 : i32
      %add3A_73 = arith.addi %mul3A_2, %mul3A_72 : i32
      %dma_wait3A_74 = arith.constant 0 : i32
      %dma_wait3A_75 = arith.constant 0 : i32
      %dma_wait3A_76 = tpu.memref_slice %arg2[%dma_wait3A_74, %add3A_73, %dma_wait3A_75] : memref<4x4096x1024xf32, #tpu.memory_space<hbm>> -> memref<4x4x1024xf32, #tpu.memory_space<hbm>>
      %dma_wait3A_77 = arith.constant 0 : i32
      %dma_wait3A_78 = arith.constant 0 : i32
      %dma_wait3A_79 = tpu.memref_slice %arg2[%dma_wait3A_77, %add3A_73, %dma_wait3A_78] : memref<4x4096x1024xf32, #tpu.memory_space<hbm>> -> memref<4x4x1024xf32, #tpu.memory_space<hbm>>
      tpu.wait_dma2 semaphore(%arg13 : memref<!tpu.dma_semaphore, #tpu.memory_space<semaphore_mem>>) src(%dma_wait3A_79 : memref<4x4x1024xf32, #tpu.memory_space<hbm>>) dst(%arg5 : memref<4x4x1024xf32, #tpu.memory_space<vmem>>)
      %mul3A_80 = arith.constant 4 : i32
      %mul3A_81 = arith.muli %add3A_70, %mul3A_80 : i32
      %add3A_82 = arith.addi %mul3A_2, %mul3A_81 : i32
      %dma_wait3A_83 = arith.constant 0 : i32
      %dma_wait3A_84 = tpu.memref_slice %arg3[%add3A_82, %dma_wait3A_83] : memref<8192x1024xf32, #tpu.memory_space<hbm>> -> memref<4x1024xf32, #tpu.memory_space<hbm>>
      %dma_wait3A_85 = arith.constant 0 : i32
      %dma_wait3A_86 = tpu.memref_slice %arg3[%add3A_82, %dma_wait3A_85] : memref<8192x1024xf32, #tpu.memory_space<hbm>> -> memref<4x1024xf32, #tpu.memory_space<hbm>>
      tpu.wait_dma2 semaphore(%arg21 : memref<!tpu.dma_semaphore, #tpu.memory_space<semaphore_mem>>) src(%dma_wait3A_86 : memref<4x1024xf32, #tpu.memory_space<hbm>>) dst(%arg9 : memref<4x1024xf32, #tpu.memory_space<vmem>>)
      %scan3A_87 = arith.constant 0 : i32
      %scan3A_88 = arith.constant 0 : i32
      %scan3A_89 = arith.constant 4 : i32
      %scan3A_90 = arith.addi %scan3A_88, %scan3A_89 : i32
      %scan3A_91 = arith.constant 1 : i32
      scf.for %scan3A_298 = %scan3A_88 to %scan3A_90 step %scan3A_91  : i32 {
        %parallel_loop3A = arith.constant 0 : i32
        %parallel_loop3A_299 = arith.constant 64 : i32
        %parallel_loop3A_300 = arith.constant 1 : i32
        scf.for %parallel_loop3A_301 = %parallel_loop3A to %parallel_loop3A_299 step %parallel_loop3A_300  : i32 {
          %parallel_loop3A_302 = arith.constant 16 : i32
          %parallel_loop3A_303 = arith.muli %parallel_loop3A_301, %parallel_loop3A_302 : i32
          %parallel_loop3A_304 = arith.index_cast %scan3A_298 : i32 to index
          %parallel_loop3A_305 = arith.index_cast %parallel_loop3A_303 : i32 to index
          %parallel_loop3A_306 = tpu.vector_load %arg9[%parallel_loop3A_304, %parallel_loop3A_305] {strides = array<i32>} : memref<4x1024xf32, #tpu.memory_space<vmem>>, vector<1x16xf32>,
          %parallel_loop3A_307 = vector.shape_cast %parallel_loop3A_306 : vector<1x16xf32> to vector<16xf32>
          %parallel_loop3A_308 = arith.constant 16 : i32
          %parallel_loop3A_309 = arith.muli %parallel_loop3A_301, %parallel_loop3A_308 : i32
          %parallel_loop3A_310 = arith.constant 0 : i32
          %parallel_loop3A_311 = arith.index_cast %parallel_loop3A_310 : i32 to index
          %parallel_loop3A_312 = arith.index_cast %scan3A_298 : i32 to index
          %parallel_loop3A_313 = arith.index_cast %parallel_loop3A_309 : i32 to index
          %parallel_loop3A_314 = tpu.vector_load %arg5[%parallel_loop3A_311, %parallel_loop3A_312, %parallel_loop3A_313] {strides = array<i32>} : memref<4x4x1024xf32, #tpu.memory_space<vmem>>, vector<1x1x16xf32>,
          %parallel_loop3A_315 = vector.shape_cast %parallel_loop3A_314 : vector<1x1x16xf32> to vector<16xf32>
          %parallel_loop3A_316 = vector.shape_cast %parallel_loop3A_307 : vector<16xf32> to vector<1x1x16xf32>
          tpu.vector_store %arg5[%parallel_loop3A_311, %parallel_loop3A_312, %parallel_loop3A_313], %parallel_loop3A_316 {add = true, strides = array<i32>} : memref<4x4x1024xf32, #tpu.memory_space<vmem>>, vector<1x1x16xf32>,
        } {sc.loop_unroll_factor = 16 : i64, sc.parallel_access}
      }
      %scan3A_92 = arith.constant 4 : i32
      %scan3A_93 = arith.constant 0 : i32
      %scan3A_94 = arith.constant 0 : i32
      %scan3A_95 = arith.constant 4 : i32
      %scan3A_96 = arith.addi %scan3A_94, %scan3A_95 : i32
      %scan3A_97 = arith.constant 1 : i32
      scf.for %scan3A_298 = %scan3A_94 to %scan3A_96 step %scan3A_97  : i32 {
        %parallel_loop3A = arith.constant 0 : i32
        %parallel_loop3A_299 = arith.constant 64 : i32
        %parallel_loop3A_300 = arith.constant 1 : i32
        scf.for %parallel_loop3A_301 = %parallel_loop3A to %parallel_loop3A_299 step %parallel_loop3A_300  : i32 {
          %parallel_loop3A_302 = arith.constant 16 : i32
          %parallel_loop3A_303 = arith.muli %parallel_loop3A_301, %parallel_loop3A_302 : i32
          %parallel_loop3A_304 = arith.index_cast %scan3A_298 : i32 to index
          %parallel_loop3A_305 = arith.index_cast %parallel_loop3A_303 : i32 to index
          %parallel_loop3A_306 = tpu.vector_load %arg9[%parallel_loop3A_304, %parallel_loop3A_305] {strides = array<i32>} : memref<4x1024xf32, #tpu.memory_space<vmem>>, vector<1x16xf32>,
          %parallel_loop3A_307 = vector.shape_cast %parallel_loop3A_306 : vector<1x16xf32> to vector<16xf32>
          %parallel_loop3A_308 = arith.constant 16 : i32
          %parallel_loop3A_309 = arith.muli %parallel_loop3A_301, %parallel_loop3A_308 : i32
          %parallel_loop3A_310 = arith.constant 1 : i32
          %parallel_loop3A_311 = arith.index_cast %parallel_loop3A_310 : i32 to index
          %parallel_loop3A_312 = arith.index_cast %scan3A_298 : i32 to index
          %parallel_loop3A_313 = arith.index_cast %parallel_loop3A_309 : i32 to index
          %parallel_loop3A_314 = tpu.vector_load %arg5[%parallel_loop3A_311, %parallel_loop3A_312, %parallel_loop3A_313] {strides = array<i32>} : memref<4x4x1024xf32, #tpu.memory_space<vmem>>, vector<1x1x16xf32>,
          %parallel_loop3A_315 = vector.shape_cast %parallel_loop3A_314 : vector<1x1x16xf32> to vector<16xf32>
          %parallel_loop3A_316 = vector.shape_cast %parallel_loop3A_307 : vector<16xf32> to vector<1x1x16xf32>
          tpu.vector_store %arg5[%parallel_loop3A_311, %parallel_loop3A_312, %parallel_loop3A_313], %parallel_loop3A_316 {add = true, strides = array<i32>} : memref<4x4x1024xf32, #tpu.memory_space<vmem>>, vector<1x1x16xf32>,
        } {sc.loop_unroll_factor = 16 : i64, sc.parallel_access}
      }
      %scan3A_98 = arith.constant 4 : i32
      %scan3A_99 = arith.constant 0 : i32
      %scan3A_100 = arith.constant 0 : i32
      %scan3A_101 = arith.constant 4 : i32
      %scan3A_102 = arith.addi %scan3A_100, %scan3A_101 : i32
      %scan3A_103 = arith.constant 1 : i32
      scf.for %scan3A_298 = %scan3A_100 to %scan3A_102 step %scan3A_103  : i32 {
        %parallel_loop3A = arith.constant 0 : i32
        %parallel_loop3A_299 = arith.constant 64 : i32
        %parallel_loop3A_300 = arith.constant 1 : i32
        scf.for %parallel_loop3A_301 = %parallel_loop3A to %parallel_loop3A_299 step %parallel_loop3A_300  : i32 {
          %parallel_loop3A_302 = arith.constant 16 : i32
          %parallel_loop3A_303 = arith.muli %parallel_loop3A_301, %parallel_loop3A_302 : i32
          %parallel_loop3A_304 = arith.index_cast %scan3A_298 : i32 to index
          %parallel_loop3A_305 = arith.index_cast %parallel_loop3A_303 : i32 to index
          %parallel_loop3A_306 = tpu.vector_load %arg9[%parallel_loop3A_304, %parallel_loop3A_305] {strides = array<i32>} : memref<4x1024xf32, #tpu.memory_space<vmem>>, vector<1x16xf32>,
          %parallel_loop3A_307 = vector.shape_cast %parallel_loop3A_306 : vector<1x16xf32> to vector<16xf32>
          %parallel_loop3A_308 = arith.constant 16 : i32
          %parallel_loop3A_309 = arith.muli %parallel_loop3A_301, %parallel_loop3A_308 : i32
          %parallel_loop3A_310 = arith.constant 2 : i32
          %parallel_loop3A_311 = arith.index_cast %parallel_loop3A_310 : i32 to index
          %parallel_loop3A_312 = arith.index_cast %scan3A_298 : i32 to index
          %parallel_loop3A_313 = arith.index_cast %parallel_loop3A_309 : i32 to index
          %parallel_loop3A_314 = tpu.vector_load %arg5[%parallel_loop3A_311, %parallel_loop3A_312, %parallel_loop3A_313] {strides = array<i32>} : memref<4x4x1024xf32, #tpu.memory_space<vmem>>, vector<1x1x16xf32>,
          %parallel_loop3A_315 = vector.shape_cast %parallel_loop3A_314 : vector<1x1x16xf32> to vector<16xf32>
          %parallel_loop3A_316 = vector.shape_cast %parallel_loop3A_307 : vector<16xf32> to vector<1x1x16xf32>
          tpu.vector_store %arg5[%parallel_loop3A_311, %parallel_loop3A_312, %parallel_loop3A_313], %parallel_loop3A_316 {add = true, strides = array<i32>} : memref<4x4x1024xf32, #tpu.memory_space<vmem>>, vector<1x1x16xf32>,
        } {sc.loop_unroll_factor = 16 : i64, sc.parallel_access}
      }
      %scan3A_104 = arith.constant 4 : i32
      %scan3A_105 = arith.constant 0 : i32
      %scan3A_106 = arith.constant 0 : i32
      %scan3A_107 = arith.constant 4 : i32
      %scan3A_108 = arith.addi %scan3A_106, %scan3A_107 : i32
      %scan3A_109 = arith.constant 1 : i32
      scf.for %scan3A_298 = %scan3A_106 to %scan3A_108 step %scan3A_109  : i32 {
        %parallel_loop3A = arith.constant 0 : i32
        %parallel_loop3A_299 = arith.constant 64 : i32
        %parallel_loop3A_300 = arith.constant 1 : i32
        scf.for %parallel_loop3A_301 = %parallel_loop3A to %parallel_loop3A_299 step %parallel_loop3A_300  : i32 {
          %parallel_loop3A_302 = arith.constant 16 : i32
          %parallel_loop3A_303 = arith.muli %parallel_loop3A_301, %parallel_loop3A_302 : i32
          %parallel_loop3A_304 = arith.index_cast %scan3A_298 : i32 to index
          %parallel_loop3A_305 = arith.index_cast %parallel_loop3A_303 : i32 to index
          %parallel_loop3A_306 = tpu.vector_load %arg9[%parallel_loop3A_304, %parallel_loop3A_305] {strides = array<i32>} : memref<4x1024xf32, #tpu.memory_space<vmem>>, vector<1x16xf32>,
          %parallel_loop3A_307 = vector.shape_cast %parallel_loop3A_306 : vector<1x16xf32> to vector<16xf32>
          %parallel_loop3A_308 = arith.constant 16 : i32
          %parallel_loop3A_309 = arith.muli %parallel_loop3A_301, %parallel_loop3A_308 : i32
          %parallel_loop3A_310 = arith.constant 3 : i32
          %parallel_loop3A_311 = arith.index_cast %parallel_loop3A_310 : i32 to index
          %parallel_loop3A_312 = arith.index_cast %scan3A_298 : i32 to index
          %parallel_loop3A_313 = arith.index_cast %parallel_loop3A_309 : i32 to index
          %parallel_loop3A_314 = tpu.vector_load %arg5[%parallel_loop3A_311, %parallel_loop3A_312, %parallel_loop3A_313] {strides = array<i32>} : memref<4x4x1024xf32, #tpu.memory_space<vmem>>, vector<1x1x16xf32>,
          %parallel_loop3A_315 = vector.shape_cast %parallel_loop3A_314 : vector<1x1x16xf32> to vector<16xf32>
          %parallel_loop3A_316 = vector.shape_cast %parallel_loop3A_307 : vector<16xf32> to vector<1x1x16xf32>
          tpu.vector_store %arg5[%parallel_loop3A_311, %parallel_loop3A_312, %parallel_loop3A_313], %parallel_loop3A_316 {add = true, strides = array<i32>} : memref<4x4x1024xf32, #tpu.memory_space<vmem>>, vector<1x1x16xf32>,
        } {sc.loop_unroll_factor = 16 : i64, sc.parallel_access}
      }
      %scan3A_110 = arith.constant 4 : i32
      %mul3A_111 = arith.constant 4 : i32
      %mul3A_112 = arith.muli %add3A_70, %mul3A_111 : i32
      %add3A_113 = arith.addi %mul3A_2, %mul3A_112 : i32
      %dma_start3A_114 = arith.constant 0 : i32
      %dma_start3A_115 = arith.constant 0 : i32
      %dma_start3A_116 = tpu.memref_slice %arg4[%dma_start3A_114, %add3A_113, %dma_start3A_115] : memref<4x4096x1024xf32, #tpu.memory_space<hbm>> -> memref<4x4x1024xf32, #tpu.memory_space<hbm>>
      %dma_start3A_117 = arith.constant 0 : i32
      %dma_start3A_118 = arith.constant 0 : i32
      %dma_start3A_119 = tpu.memref_slice %arg4[%dma_start3A_117, %add3A_113, %dma_start3A_118] : memref<4x4096x1024xf32, #tpu.memory_space<hbm>> -> memref<4x4x1024xf32, #tpu.memory_space<hbm>>
      tpu.enqueue_dma source(%arg5 : memref<4x4x1024xf32, #tpu.memory_space<vmem>>) target(%dma_start3A_119 : memref<4x4x1024xf32, #tpu.memory_space<hbm>>) target_semaphore(%arg17 : memref<!tpu.dma_semaphore, #tpu.memory_space<semaphore_mem>>)
      %add3A_120 = arith.constant 2 : i32
      %add3A_121 = arith.addi %add3A_70, %add3A_120 : i32
      %lt3A = arith.constant 32 : i32
      %lt3A_122 = arith.cmpi slt, %add3A_121, %lt3A : i32
      %convert_element_type3A = arith.extui %lt3A_122 : i1 to i32
      %cond3A = arith.constant 0 : i32
      %cond3A_123 = arith.cmpi ne, %convert_element_type3A, %cond3A : i32
      scf.if %cond3A_123 {
        %ge3A = arith.constant 2 : i32
        %ge3A_298 = arith.cmpi sge, %add3A_70, %ge3A : i32
        %convert_element_type3A_299 = arith.extui %ge3A_298 : i1 to i32
        %cond3A_300 = arith.constant 0 : i32
        %cond3A_301 = arith.cmpi ne, %convert_element_type3A_299, %cond3A_300 : i32
        scf.if %cond3A_301 {
          %sub3A = arith.constant 2 : i32
          %sub3A_322 = arith.subi %add3A_70, %sub3A : i32
          %mul3A_323 = arith.constant 4 : i32
          %mul3A_324 = arith.muli %sub3A_322, %mul3A_323 : i32
          %add3A_325 = arith.addi %mul3A_2, %mul3A_324 : i32
          %dma_wait3A_326 = arith.constant 0 : i32
          %dma_wait3A_327 = arith.constant 0 : i32
          %dma_wait3A_328 = tpu.memref_slice %arg4[%dma_wait3A_326, %add3A_325, %dma_wait3A_327] : memref<4x4096x1024xf32, #tpu.memory_space<hbm>> -> memref<4x4x1024xf32, #tpu.memory_space<hbm>>
          %dma_wait3A_329 = arith.constant 0 : i32
          %dma_wait3A_330 = arith.constant 0 : i32
          %dma_wait3A_331 = tpu.memref_slice %arg4[%dma_wait3A_329, %add3A_325, %dma_wait3A_330] : memref<4x4096x1024xf32, #tpu.memory_space<hbm>> -> memref<4x4x1024xf32, #tpu.memory_space<hbm>>
          tpu.wait_dma2 semaphore(%arg19 : memref<!tpu.dma_semaphore, #tpu.memory_space<semaphore_mem>>) src(%arg7 : memref<4x4x1024xf32, #tpu.memory_space<vmem>>) dst(%dma_wait3A_331 : memref<4x4x1024xf32, #tpu.memory_space<hbm>>)
        } else {
        }
        %add3A_302 = arith.constant 2 : i32
        %add3A_303 = arith.addi %add3A_70, %add3A_302 : i32
        %mul3A_304 = arith.constant 4 : i32
        %mul3A_305 = arith.muli %add3A_303, %mul3A_304 : i32
        %add3A_306 = arith.addi %mul3A_2, %mul3A_305 : i32
        %dma_start3A_307 = arith.constant 0 : i32
        %dma_start3A_308 = arith.constant 0 : i32
        %dma_start3A_309 = tpu.memref_slice %arg2[%dma_start3A_307, %add3A_306, %dma_start3A_308] : memref<4x4096x1024xf32, #tpu.memory_space<hbm>> -> memref<4x4x1024xf32, #tpu.memory_space<hbm>>
        %dma_start3A_310 = arith.constant 0 : i32
        %dma_start3A_311 = arith.constant 0 : i32
        %dma_start3A_312 = tpu.memref_slice %arg2[%dma_start3A_310, %add3A_306, %dma_start3A_311] : memref<4x4096x1024xf32, #tpu.memory_space<hbm>> -> memref<4x4x1024xf32, #tpu.memory_space<hbm>>
        tpu.enqueue_dma source(%dma_start3A_312 : memref<4x4x1024xf32, #tpu.memory_space<hbm>>) target(%arg7 : memref<4x4x1024xf32, #tpu.memory_space<vmem>>) target_semaphore(%arg15 : memref<!tpu.dma_semaphore, #tpu.memory_space<semaphore_mem>>)
        %add3A_313 = arith.constant 2 : i32
        %add3A_314 = arith.addi %add3A_70, %add3A_313 : i32
        %mul3A_315 = arith.constant 4 : i32
        %mul3A_316 = arith.muli %add3A_314, %mul3A_315 : i32
        %add3A_317 = arith.addi %mul3A_2, %mul3A_316 : i32
        %dma_start3A_318 = arith.constant 0 : i32
        %dma_start3A_319 = tpu.memref_slice %arg3[%add3A_317, %dma_start3A_318] : memref<8192x1024xf32, #tpu.memory_space<hbm>> -> memref<4x1024xf32, #tpu.memory_space<hbm>>
        %dma_start3A_320 = arith.constant 0 : i32
        %dma_start3A_321 = tpu.memref_slice %arg3[%add3A_317, %dma_start3A_320] : memref<8192x1024xf32, #tpu.memory_space<hbm>> -> memref<4x1024xf32, #tpu.memory_space<hbm>>
        tpu.enqueue_dma source(%dma_start3A_321 : memref<4x1024xf32, #tpu.memory_space<hbm>>) target(%arg11 : memref<4x1024xf32, #tpu.memory_space<vmem>>) target_semaphore(%arg23 : memref<!tpu.dma_semaphore, #tpu.memory_space<semaphore_mem>>)
      } else {
      }
      %add3A_124 = arith.constant 1 : i32
      %add3A_125 = arith.addi %mul3A_68, %add3A_124 : i32
      %mul3A_126 = arith.constant 4 : i32
      %mul3A_127 = arith.muli %add3A_125, %mul3A_126 : i32
      %add3A_128 = arith.addi %mul3A_2, %mul3A_127 : i32
      %dma_wait3A_129 = arith.constant 0 : i32
      %dma_wait3A_130 = arith.constant 0 : i32
      %dma_wait3A_131 = tpu.memref_slice %arg2[%dma_wait3A_129, %add3A_128, %dma_wait3A_130] : memref<4x4096x1024xf32, #tpu.memory_space<hbm>> -> memref<4x4x1024xf32, #tpu.memory_space<hbm>>
      %dma_wait3A_132 = arith.constant 0 : i32
      %dma_wait3A_133 = arith.constant 0 : i32
      %dma_wait3A_134 = tpu.memref_slice %arg2[%dma_wait3A_132, %add3A_128, %dma_wait3A_133] : memref<4x4096x1024xf32, #tpu.memory_space<hbm>> -> memref<4x4x1024xf32, #tpu.memory_space<hbm>>
      tpu.wait_dma2 semaphore(%arg14 : memref<!tpu.dma_semaphore, #tpu.memory_space<semaphore_mem>>) src(%dma_wait3A_134 : memref<4x4x1024xf32, #tpu.memory_space<hbm>>) dst(%arg6 : memref<4x4x1024xf32, #tpu.memory_space<vmem>>)
      %mul3A_135 = arith.constant 4 : i32
      %mul3A_136 = arith.muli %add3A_125, %mul3A_135 : i32
      %add3A_137 = arith.addi %mul3A_2, %mul3A_136 : i32
      %dma_wait3A_138 = arith.constant 0 : i32
      %dma_wait3A_139 = tpu.memref_slice %arg3[%add3A_137, %dma_wait3A_138] : memref<8192x1024xf32, #tpu.memory_space<hbm>> -> memref<4x1024xf32, #tpu.memory_space<hbm>>
      %dma_wait3A_140 = arith.constant 0 : i32
      %dma_wait3A_141 = tpu.memref_slice %arg3[%add3A_137, %dma_wait3A_140] : memref<8192x1024xf32, #tpu.memory_space<hbm>> -> memref<4x1024xf32, #tpu.memory_space<hbm>>
      tpu.wait_dma2 semaphore(%arg22 : memref<!tpu.dma_semaphore, #tpu.memory_space<semaphore_mem>>) src(%dma_wait3A_141 : memref<4x1024xf32, #tpu.memory_space<hbm>>) dst(%arg10 : memref<4x1024xf32, #tpu.memory_space<vmem>>)
      %scan3A_142 = arith.constant 0 : i32
      %scan3A_143 = arith.constant 0 : i32
      %scan3A_144 = arith.constant 4 : i32
      %scan3A_145 = arith.addi %scan3A_143, %scan3A_144 : i32
      %scan3A_146 = arith.constant 1 : i32
      scf.for %scan3A_298 = %scan3A_143 to %scan3A_145 step %scan3A_146  : i32 {
        %parallel_loop3A = arith.constant 0 : i32
        %parallel_loop3A_299 = arith.constant 64 : i32
        %parallel_loop3A_300 = arith.constant 1 : i32
        scf.for %parallel_loop3A_301 = %parallel_loop3A to %parallel_loop3A_299 step %parallel_loop3A_300  : i32 {
          %parallel_loop3A_302 = arith.constant 16 : i32
          %parallel_loop3A_303 = arith.muli %parallel_loop3A_301, %parallel_loop3A_302 : i32
          %parallel_loop3A_304 = arith.index_cast %scan3A_298 : i32 to index
          %parallel_loop3A_305 = arith.index_cast %parallel_loop3A_303 : i32 to index
          %parallel_loop3A_306 = tpu.vector_load %arg10[%parallel_loop3A_304, %parallel_loop3A_305] {strides = array<i32>} : memref<4x1024xf32, #tpu.memory_space<vmem>>, vector<1x16xf32>,
          %parallel_loop3A_307 = vector.shape_cast %parallel_loop3A_306 : vector<1x16xf32> to vector<16xf32>
          %parallel_loop3A_308 = arith.constant 16 : i32
          %parallel_loop3A_309 = arith.muli %parallel_loop3A_301, %parallel_loop3A_308 : i32
          %parallel_loop3A_310 = arith.constant 0 : i32
          %parallel_loop3A_311 = arith.index_cast %parallel_loop3A_310 : i32 to index
          %parallel_loop3A_312 = arith.index_cast %scan3A_298 : i32 to index
          %parallel_loop3A_313 = arith.index_cast %parallel_loop3A_309 : i32 to index
          %parallel_loop3A_314 = tpu.vector_load %arg6[%parallel_loop3A_311, %parallel_loop3A_312, %parallel_loop3A_313] {strides = array<i32>} : memref<4x4x1024xf32, #tpu.memory_space<vmem>>, vector<1x1x16xf32>,
          %parallel_loop3A_315 = vector.shape_cast %parallel_loop3A_314 : vector<1x1x16xf32> to vector<16xf32>
          %parallel_loop3A_316 = vector.shape_cast %parallel_loop3A_307 : vector<16xf32> to vector<1x1x16xf32>
          tpu.vector_store %arg6[%parallel_loop3A_311, %parallel_loop3A_312, %parallel_loop3A_313], %parallel_loop3A_316 {add = true, strides = array<i32>} : memref<4x4x1024xf32, #tpu.memory_space<vmem>>, vector<1x1x16xf32>,
        } {sc.loop_unroll_factor = 16 : i64, sc.parallel_access}
      }
      %scan3A_147 = arith.constant 4 : i32
      %scan3A_148 = arith.constant 0 : i32
      %scan3A_149 = arith.constant 0 : i32
      %scan3A_150 = arith.constant 4 : i32
      %scan3A_151 = arith.addi %scan3A_149, %scan3A_150 : i32
      %scan3A_152 = arith.constant 1 : i32
      scf.for %scan3A_298 = %scan3A_149 to %scan3A_151 step %scan3A_152  : i32 {
        %parallel_loop3A = arith.constant 0 : i32
        %parallel_loop3A_299 = arith.constant 64 : i32
        %parallel_loop3A_300 = arith.constant 1 : i32
        scf.for %parallel_loop3A_301 = %parallel_loop3A to %parallel_loop3A_299 step %parallel_loop3A_300  : i32 {
          %parallel_loop3A_302 = arith.constant 16 : i32
          %parallel_loop3A_303 = arith.muli %parallel_loop3A_301, %parallel_loop3A_302 : i32
          %parallel_loop3A_304 = arith.index_cast %scan3A_298 : i32 to index
          %parallel_loop3A_305 = arith.index_cast %parallel_loop3A_303 : i32 to index
          %parallel_loop3A_306 = tpu.vector_load %arg10[%parallel_loop3A_304, %parallel_loop3A_305] {strides = array<i32>} : memref<4x1024xf32, #tpu.memory_space<vmem>>, vector<1x16xf32>,
          %parallel_loop3A_307 = vector.shape_cast %parallel_loop3A_306 : vector<1x16xf32> to vector<16xf32>
          %parallel_loop3A_308 = arith.constant 16 : i32
          %parallel_loop3A_309 = arith.muli %parallel_loop3A_301, %parallel_loop3A_308 : i32
          %parallel_loop3A_310 = arith.constant 1 : i32
          %parallel_loop3A_311 = arith.index_cast %parallel_loop3A_310 : i32 to index
          %parallel_loop3A_312 = arith.index_cast %scan3A_298 : i32 to index
          %parallel_loop3A_313 = arith.index_cast %parallel_loop3A_309 : i32 to index
          %parallel_loop3A_314 = tpu.vector_load %arg6[%parallel_loop3A_311, %parallel_loop3A_312, %parallel_loop3A_313] {strides = array<i32>} : memref<4x4x1024xf32, #tpu.memory_space<vmem>>, vector<1x1x16xf32>,
          %parallel_loop3A_315 = vector.shape_cast %parallel_loop3A_314 : vector<1x1x16xf32> to vector<16xf32>
          %parallel_loop3A_316 = vector.shape_cast %parallel_loop3A_307 : vector<16xf32> to vector<1x1x16xf32>
          tpu.vector_store %arg6[%parallel_loop3A_311, %parallel_loop3A_312, %parallel_loop3A_313], %parallel_loop3A_316 {add = true, strides = array<i32>} : memref<4x4x1024xf32, #tpu.memory_space<vmem>>, vector<1x1x16xf32>,
        } {sc.loop_unroll_factor = 16 : i64, sc.parallel_access}
      }
      %scan3A_153 = arith.constant 4 : i32
      %scan3A_154 = arith.constant 0 : i32
      %scan3A_155 = arith.constant 0 : i32
      %scan3A_156 = arith.constant 4 : i32
      %scan3A_157 = arith.addi %scan3A_155, %scan3A_156 : i32
      %scan3A_158 = arith.constant 1 : i32
      scf.for %scan3A_298 = %scan3A_155 to %scan3A_157 step %scan3A_158  : i32 {
        %parallel_loop3A = arith.constant 0 : i32
        %parallel_loop3A_299 = arith.constant 64 : i32
        %parallel_loop3A_300 = arith.constant 1 : i32
        scf.for %parallel_loop3A_301 = %parallel_loop3A to %parallel_loop3A_299 step %parallel_loop3A_300  : i32 {
          %parallel_loop3A_302 = arith.constant 16 : i32
          %parallel_loop3A_303 = arith.muli %parallel_loop3A_301, %parallel_loop3A_302 : i32
          %parallel_loop3A_304 = arith.index_cast %scan3A_298 : i32 to index
          %parallel_loop3A_305 = arith.index_cast %parallel_loop3A_303 : i32 to index
          %parallel_loop3A_306 = tpu.vector_load %arg10[%parallel_loop3A_304, %parallel_loop3A_305] {strides = array<i32>} : memref<4x1024xf32, #tpu.memory_space<vmem>>, vector<1x16xf32>,
          %parallel_loop3A_307 = vector.shape_cast %parallel_loop3A_306 : vector<1x16xf32> to vector<16xf32>
          %parallel_loop3A_308 = arith.constant 16 : i32
          %parallel_loop3A_309 = arith.muli %parallel_loop3A_301, %parallel_loop3A_308 : i32
          %parallel_loop3A_310 = arith.constant 2 : i32
          %parallel_loop3A_311 = arith.index_cast %parallel_loop3A_310 : i32 to index
          %parallel_loop3A_312 = arith.index_cast %scan3A_298 : i32 to index
          %parallel_loop3A_313 = arith.index_cast %parallel_loop3A_309 : i32 to index
          %parallel_loop3A_314 = tpu.vector_load %arg6[%parallel_loop3A_311, %parallel_loop3A_312, %parallel_loop3A_313] {strides = array<i32>} : memref<4x4x1024xf32, #tpu.memory_space<vmem>>, vector<1x1x16xf32>,
          %parallel_loop3A_315 = vector.shape_cast %parallel_loop3A_314 : vector<1x1x16xf32> to vector<16xf32>
          %parallel_loop3A_316 = vector.shape_cast %parallel_loop3A_307 : vector<16xf32> to vector<1x1x16xf32>
          tpu.vector_store %arg6[%parallel_loop3A_311, %parallel_loop3A_312, %parallel_loop3A_313], %parallel_loop3A_316 {add = true, strides = array<i32>} : memref<4x4x1024xf32, #tpu.memory_space<vmem>>, vector<1x1x16xf32>,
        } {sc.loop_unroll_factor = 16 : i64, sc.parallel_access}
      }
      %scan3A_159 = arith.constant 4 : i32
      %scan3A_160 = arith.constant 0 : i32
      %scan3A_161 = arith.constant 0 : i32
      %scan3A_162 = arith.constant 4 : i32
      %scan3A_163 = arith.addi %scan3A_161, %scan3A_162 : i32
      %scan3A_164 = arith.constant 1 : i32
      scf.for %scan3A_298 = %scan3A_161 to %scan3A_163 step %scan3A_164  : i32 {
        %parallel_loop3A = arith.constant 0 : i32
        %parallel_loop3A_299 = arith.constant 64 : i32
        %parallel_loop3A_300 = arith.constant 1 : i32
        scf.for %parallel_loop3A_301 = %parallel_loop3A to %parallel_loop3A_299 step %parallel_loop3A_300  : i32 {
          %parallel_loop3A_302 = arith.constant 16 : i32
          %parallel_loop3A_303 = arith.muli %parallel_loop3A_301, %parallel_loop3A_302 : i32
          %parallel_loop3A_304 = arith.index_cast %scan3A_298 : i32 to index
          %parallel_loop3A_305 = arith.index_cast %parallel_loop3A_303 : i32 to index
          %parallel_loop3A_306 = tpu.vector_load %arg10[%parallel_loop3A_304, %parallel_loop3A_305] {strides = array<i32>} : memref<4x1024xf32, #tpu.memory_space<vmem>>, vector<1x16xf32>,
          %parallel_loop3A_307 = vector.shape_cast %parallel_loop3A_306 : vector<1x16xf32> to vector<16xf32>
          %parallel_loop3A_308 = arith.constant 16 : i32
          %parallel_loop3A_309 = arith.muli %parallel_loop3A_301, %parallel_loop3A_308 : i32
          %parallel_loop3A_310 = arith.constant 3 : i32
          %parallel_loop3A_311 = arith.index_cast %parallel_loop3A_310 : i32 to index
          %parallel_loop3A_312 = arith.index_cast %scan3A_298 : i32 to index
          %parallel_loop3A_313 = arith.index_cast %parallel_loop3A_309 : i32 to index
          %parallel_loop3A_314 = tpu.vector_load %arg6[%parallel_loop3A_311, %parallel_loop3A_312, %parallel_loop3A_313] {strides = array<i32>} : memref<4x4x1024xf32, #tpu.memory_space<vmem>>, vector<1x1x16xf32>,
          %parallel_loop3A_315 = vector.shape_cast %parallel_loop3A_314 : vector<1x1x16xf32> to vector<16xf32>
          %parallel_loop3A_316 = vector.shape_cast %parallel_loop3A_307 : vector<16xf32> to vector<1x1x16xf32>
          tpu.vector_store %arg6[%parallel_loop3A_311, %parallel_loop3A_312, %parallel_loop3A_313], %parallel_loop3A_316 {add = true, strides = array<i32>} : memref<4x4x1024xf32, #tpu.memory_space<vmem>>, vector<1x1x16xf32>,
        } {sc.loop_unroll_factor = 16 : i64, sc.parallel_access}
      }
      %scan3A_165 = arith.constant 4 : i32
      %mul3A_166 = arith.constant 4 : i32
      %mul3A_167 = arith.muli %add3A_125, %mul3A_166 : i32
      %add3A_168 = arith.addi %mul3A_2, %mul3A_167 : i32
      %dma_start3A_169 = arith.constant 0 : i32
      %dma_start3A_170 = arith.constant 0 : i32
      %dma_start3A_171 = tpu.memref_slice %arg4[%dma_start3A_169, %add3A_168, %dma_start3A_170] : memref<4x4096x1024xf32, #tpu.memory_space<hbm>> -> memref<4x4x1024xf32, #tpu.memory_space<hbm>>
      %dma_start3A_172 = arith.constant 0 : i32
      %dma_start3A_173 = arith.constant 0 : i32
      %dma_start3A_174 = tpu.memref_slice %arg4[%dma_start3A_172, %add3A_168, %dma_start3A_173] : memref<4x4096x1024xf32, #tpu.memory_space<hbm>> -> memref<4x4x1024xf32, #tpu.memory_space<hbm>>
      tpu.enqueue_dma source(%arg6 : memref<4x4x1024xf32, #tpu.memory_space<vmem>>) target(%dma_start3A_174 : memref<4x4x1024xf32, #tpu.memory_space<hbm>>) target_semaphore(%arg18 : memref<!tpu.dma_semaphore, #tpu.memory_space<semaphore_mem>>)
      %add3A_175 = arith.constant 2 : i32
      %add3A_176 = arith.addi %add3A_125, %add3A_175 : i32
      %lt3A_177 = arith.constant 32 : i32
      %lt3A_178 = arith.cmpi slt, %add3A_176, %lt3A_177 : i32
      %convert_element_type3A_179 = arith.extui %lt3A_178 : i1 to i32
      %cond3A_180 = arith.constant 0 : i32
      %cond3A_181 = arith.cmpi ne, %convert_element_type3A_179, %cond3A_180 : i32
      scf.if %cond3A_181 {
        %ge3A = arith.constant 2 : i32
        %ge3A_298 = arith.cmpi sge, %add3A_125, %ge3A : i32
        %convert_element_type3A_299 = arith.extui %ge3A_298 : i1 to i32
        %cond3A_300 = arith.constant 0 : i32
        %cond3A_301 = arith.cmpi ne, %convert_element_type3A_299, %cond3A_300 : i32
        scf.if %cond3A_301 {
          %sub3A = arith.constant 2 : i32
          %sub3A_322 = arith.subi %add3A_125, %sub3A : i32
          %mul3A_323 = arith.constant 4 : i32
          %mul3A_324 = arith.muli %sub3A_322, %mul3A_323 : i32
          %add3A_325 = arith.addi %mul3A_2, %mul3A_324 : i32
          %dma_wait3A_326 = arith.constant 0 : i32
          %dma_wait3A_327 = arith.constant 0 : i32
          %dma_wait3A_328 = tpu.memref_slice %arg4[%dma_wait3A_326, %add3A_325, %dma_wait3A_327] : memref<4x4096x1024xf32, #tpu.memory_space<hbm>> -> memref<4x4x1024xf32, #tpu.memory_space<hbm>>
          %dma_wait3A_329 = arith.constant 0 : i32
          %dma_wait3A_330 = arith.constant 0 : i32
          %dma_wait3A_331 = tpu.memref_slice %arg4[%dma_wait3A_329, %add3A_325, %dma_wait3A_330] : memref<4x4096x1024xf32, #tpu.memory_space<hbm>> -> memref<4x4x1024xf32, #tpu.memory_space<hbm>>
          tpu.wait_dma2 semaphore(%arg20 : memref<!tpu.dma_semaphore, #tpu.memory_space<semaphore_mem>>) src(%arg8 : memref<4x4x1024xf32, #tpu.memory_space<vmem>>) dst(%dma_wait3A_331 : memref<4x4x1024xf32, #tpu.memory_space<hbm>>)
        } else {
        }
        %add3A_302 = arith.constant 2 : i32
        %add3A_303 = arith.addi %add3A_125, %add3A_302 : i32
        %mul3A_304 = arith.constant 4 : i32
        %mul3A_305 = arith.muli %add3A_303, %mul3A_304 : i32
        %add3A_306 = arith.addi %mul3A_2, %mul3A_305 : i32
        %dma_start3A_307 = arith.constant 0 : i32
        %dma_start3A_308 = arith.constant 0 : i32
        %dma_start3A_309 = tpu.memref_slice %arg2[%dma_start3A_307, %add3A_306, %dma_start3A_308] : memref<4x4096x1024xf32, #tpu.memory_space<hbm>> -> memref<4x4x1024xf32, #tpu.memory_space<hbm>>
        %dma_start3A_310 = arith.constant 0 : i32
        %dma_start3A_311 = arith.constant 0 : i32
        %dma_start3A_312 = tpu.memref_slice %arg2[%dma_start3A_310, %add3A_306, %dma_start3A_311] : memref<4x4096x1024xf32, #tpu.memory_space<hbm>> -> memref<4x4x1024xf32, #tpu.memory_space<hbm>>
        tpu.enqueue_dma source(%dma_start3A_312 : memref<4x4x1024xf32, #tpu.memory_space<hbm>>) target(%arg8 : memref<4x4x1024xf32, #tpu.memory_space<vmem>>) target_semaphore(%arg16 : memref<!tpu.dma_semaphore, #tpu.memory_space<semaphore_mem>>)
        %add3A_313 = arith.constant 2 : i32
        %add3A_314 = arith.addi %add3A_125, %add3A_313 : i32
        %mul3A_315 = arith.constant 4 : i32
        %mul3A_316 = arith.muli %add3A_314, %mul3A_315 : i32
        %add3A_317 = arith.addi %mul3A_2, %mul3A_316 : i32
        %dma_start3A_318 = arith.constant 0 : i32
        %dma_start3A_319 = tpu.memref_slice %arg3[%add3A_317, %dma_start3A_318] : memref<8192x1024xf32, #tpu.memory_space<hbm>> -> memref<4x1024xf32, #tpu.memory_space<hbm>>
        %dma_start3A_320 = arith.constant 0 : i32
        %dma_start3A_321 = tpu.memref_slice %arg3[%add3A_317, %dma_start3A_320] : memref<8192x1024xf32, #tpu.memory_space<hbm>> -> memref<4x1024xf32, #tpu.memory_space<hbm>>
        tpu.enqueue_dma source(%dma_start3A_321 : memref<4x1024xf32, #tpu.memory_space<hbm>>) target(%arg12 : memref<4x1024xf32, #tpu.memory_space<vmem>>) target_semaphore(%arg24 : memref<!tpu.dma_semaphore, #tpu.memory_space<semaphore_mem>>)
      } else {
      }
      %add3A_182 = arith.constant 2 : i32
      %add3A_183 = arith.addi %mul3A_68, %add3A_182 : i32
      %mul3A_184 = arith.constant 4 : i32
      %mul3A_185 = arith.muli %add3A_183, %mul3A_184 : i32
      %add3A_186 = arith.addi %mul3A_2, %mul3A_185 : i32
      %dma_wait3A_187 = arith.constant 0 : i32
      %dma_wait3A_188 = arith.constant 0 : i32
      %dma_wait3A_189 = tpu.memref_slice %arg2[%dma_wait3A_187, %add3A_186, %dma_wait3A_188] : memref<4x4096x1024xf32, #tpu.memory_space<hbm>> -> memref<4x4x1024xf32, #tpu.memory_space<hbm>>
      %dma_wait3A_190 = arith.constant 0 : i32
      %dma_wait3A_191 = arith.constant 0 : i32
      %dma_wait3A_192 = tpu.memref_slice %arg2[%dma_wait3A_190, %add3A_186, %dma_wait3A_191] : memref<4x4096x1024xf32, #tpu.memory_space<hbm>> -> memref<4x4x1024xf32, #tpu.memory_space<hbm>>
      tpu.wait_dma2 semaphore(%arg15 : memref<!tpu.dma_semaphore, #tpu.memory_space<semaphore_mem>>) src(%dma_wait3A_192 : memref<4x4x1024xf32, #tpu.memory_space<hbm>>) dst(%arg7 : memref<4x4x1024xf32, #tpu.memory_space<vmem>>)
      %mul3A_193 = arith.constant 4 : i32
      %mul3A_194 = arith.muli %add3A_183, %mul3A_193 : i32
      %add3A_195 = arith.addi %mul3A_2, %mul3A_194 : i32
      %dma_wait3A_196 = arith.constant 0 : i32
      %dma_wait3A_197 = tpu.memref_slice %arg3[%add3A_195, %dma_wait3A_196] : memref<8192x1024xf32, #tpu.memory_space<hbm>> -> memref<4x1024xf32, #tpu.memory_space<hbm>>
      %dma_wait3A_198 = arith.constant 0 : i32
      %dma_wait3A_199 = tpu.memref_slice %arg3[%add3A_195, %dma_wait3A_198] : memref<8192x1024xf32, #tpu.memory_space<hbm>> -> memref<4x1024xf32, #tpu.memory_space<hbm>>
      tpu.wait_dma2 semaphore(%arg23 : memref<!tpu.dma_semaphore, #tpu.memory_space<semaphore_mem>>) src(%dma_wait3A_199 : memref<4x1024xf32, #tpu.memory_space<hbm>>) dst(%arg11 : memref<4x1024xf32, #tpu.memory_space<vmem>>)
      %scan3A_200 = arith.constant 0 : i32
      %scan3A_201 = arith.constant 0 : i32
      %scan3A_202 = arith.constant 4 : i32
      %scan3A_203 = arith.addi %scan3A_201, %scan3A_202 : i32
      %scan3A_204 = arith.constant 1 : i32
      scf.for %scan3A_298 = %scan3A_201 to %scan3A_203 step %scan3A_204  : i32 {
        %parallel_loop3A = arith.constant 0 : i32
        %parallel_loop3A_299 = arith.constant 64 : i32
        %parallel_loop3A_300 = arith.constant 1 : i32
        scf.for %parallel_loop3A_301 = %parallel_loop3A to %parallel_loop3A_299 step %parallel_loop3A_300  : i32 {
          %parallel_loop3A_302 = arith.constant 16 : i32
          %parallel_loop3A_303 = arith.muli %parallel_loop3A_301, %parallel_loop3A_302 : i32
          %parallel_loop3A_304 = arith.index_cast %scan3A_298 : i32 to index
          %parallel_loop3A_305 = arith.index_cast %parallel_loop3A_303 : i32 to index
          %parallel_loop3A_306 = tpu.vector_load %arg11[%parallel_loop3A_304, %parallel_loop3A_305] {strides = array<i32>} : memref<4x1024xf32, #tpu.memory_space<vmem>>, vector<1x16xf32>,
          %parallel_loop3A_307 = vector.shape_cast %parallel_loop3A_306 : vector<1x16xf32> to vector<16xf32>
          %parallel_loop3A_308 = arith.constant 16 : i32
          %parallel_loop3A_309 = arith.muli %parallel_loop3A_301, %parallel_loop3A_308 : i32
          %parallel_loop3A_310 = arith.constant 0 : i32
          %parallel_loop3A_311 = arith.index_cast %parallel_loop3A_310 : i32 to index
          %parallel_loop3A_312 = arith.index_cast %scan3A_298 : i32 to index
          %parallel_loop3A_313 = arith.index_cast %parallel_loop3A_309 : i32 to index
          %parallel_loop3A_314 = tpu.vector_load %arg7[%parallel_loop3A_311, %parallel_loop3A_312, %parallel_loop3A_313] {strides = array<i32>} : memref<4x4x1024xf32, #tpu.memory_space<vmem>>, vector<1x1x16xf32>,
          %parallel_loop3A_315 = vector.shape_cast %parallel_loop3A_314 : vector<1x1x16xf32> to vector<16xf32>
          %parallel_loop3A_316 = vector.shape_cast %parallel_loop3A_307 : vector<16xf32> to vector<1x1x16xf32>
          tpu.vector_store %arg7[%parallel_loop3A_311, %parallel_loop3A_312, %parallel_loop3A_313], %parallel_loop3A_316 {add = true, strides = array<i32>} : memref<4x4x1024xf32, #tpu.memory_space<vmem>>, vector<1x1x16xf32>,
        } {sc.loop_unroll_factor = 16 : i64, sc.parallel_access}
      }
      %scan3A_205 = arith.constant 4 : i32
      %scan3A_206 = arith.constant 0 : i32
      %scan3A_207 = arith.constant 0 : i32
      %scan3A_208 = arith.constant 4 : i32
      %scan3A_209 = arith.addi %scan3A_207, %scan3A_208 : i32
      %scan3A_210 = arith.constant 1 : i32
      scf.for %scan3A_298 = %scan3A_207 to %scan3A_209 step %scan3A_210  : i32 {
        %parallel_loop3A = arith.constant 0 : i32
        %parallel_loop3A_299 = arith.constant 64 : i32
        %parallel_loop3A_300 = arith.constant 1 : i32
        scf.for %parallel_loop3A_301 = %parallel_loop3A to %parallel_loop3A_299 step %parallel_loop3A_300  : i32 {
          %parallel_loop3A_302 = arith.constant 16 : i32
          %parallel_loop3A_303 = arith.muli %parallel_loop3A_301, %parallel_loop3A_302 : i32
          %parallel_loop3A_304 = arith.index_cast %scan3A_298 : i32 to index
          %parallel_loop3A_305 = arith.index_cast %parallel_loop3A_303 : i32 to index
          %parallel_loop3A_306 = tpu.vector_load %arg11[%parallel_loop3A_304, %parallel_loop3A_305] {strides = array<i32>} : memref<4x1024xf32, #tpu.memory_space<vmem>>, vector<1x16xf32>,
          %parallel_loop3A_307 = vector.shape_cast %parallel_loop3A_306 : vector<1x16xf32> to vector<16xf32>
          %parallel_loop3A_308 = arith.constant 16 : i32
          %parallel_loop3A_309 = arith.muli %parallel_loop3A_301, %parallel_loop3A_308 : i32
          %parallel_loop3A_310 = arith.constant 1 : i32
          %parallel_loop3A_311 = arith.index_cast %parallel_loop3A_310 : i32 to index
          %parallel_loop3A_312 = arith.index_cast %scan3A_298 : i32 to index
          %parallel_loop3A_313 = arith.index_cast %parallel_loop3A_309 : i32 to index
          %parallel_loop3A_314 = tpu.vector_load %arg7[%parallel_loop3A_311, %parallel_loop3A_312, %parallel_loop3A_313] {strides = array<i32>} : memref<4x4x1024xf32, #tpu.memory_space<vmem>>, vector<1x1x16xf32>,
          %parallel_loop3A_315 = vector.shape_cast %parallel_loop3A_314 : vector<1x1x16xf32> to vector<16xf32>
          %parallel_loop3A_316 = vector.shape_cast %parallel_loop3A_307 : vector<16xf32> to vector<1x1x16xf32>
          tpu.vector_store %arg7[%parallel_loop3A_311, %parallel_loop3A_312, %parallel_loop3A_313], %parallel_loop3A_316 {add = true, strides = array<i32>} : memref<4x4x1024xf32, #tpu.memory_space<vmem>>, vector<1x1x16xf32>,
        } {sc.loop_unroll_factor = 16 : i64, sc.parallel_access}
      }
      %scan3A_211 = arith.constant 4 : i32
      %scan3A_212 = arith.constant 0 : i32
      %scan3A_213 = arith.constant 0 : i32
      %scan3A_214 = arith.constant 4 : i32
      %scan3A_215 = arith.addi %scan3A_213, %scan3A_214 : i32
      %scan3A_216 = arith.constant 1 : i32
      scf.for %scan3A_298 = %scan3A_213 to %scan3A_215 step %scan3A_216  : i32 {
        %parallel_loop3A = arith.constant 0 : i32
        %parallel_loop3A_299 = arith.constant 64 : i32
        %parallel_loop3A_300 = arith.constant 1 : i32
        scf.for %parallel_loop3A_301 = %parallel_loop3A to %parallel_loop3A_299 step %parallel_loop3A_300  : i32 {
          %parallel_loop3A_302 = arith.constant 16 : i32
          %parallel_loop3A_303 = arith.muli %parallel_loop3A_301, %parallel_loop3A_302 : i32
          %parallel_loop3A_304 = arith.index_cast %scan3A_298 : i32 to index
          %parallel_loop3A_305 = arith.index_cast %parallel_loop3A_303 : i32 to index
          %parallel_loop3A_306 = tpu.vector_load %arg11[%parallel_loop3A_304, %parallel_loop3A_305] {strides = array<i32>} : memref<4x1024xf32, #tpu.memory_space<vmem>>, vector<1x16xf32>,
          %parallel_loop3A_307 = vector.shape_cast %parallel_loop3A_306 : vector<1x16xf32> to vector<16xf32>
          %parallel_loop3A_308 = arith.constant 16 : i32
          %parallel_loop3A_309 = arith.muli %parallel_loop3A_301, %parallel_loop3A_308 : i32
          %parallel_loop3A_310 = arith.constant 2 : i32
          %parallel_loop3A_311 = arith.index_cast %parallel_loop3A_310 : i32 to index
          %parallel_loop3A_312 = arith.index_cast %scan3A_298 : i32 to index
          %parallel_loop3A_313 = arith.index_cast %parallel_loop3A_309 : i32 to index
          %parallel_loop3A_314 = tpu.vector_load %arg7[%parallel_loop3A_311, %parallel_loop3A_312, %parallel_loop3A_313] {strides = array<i32>} : memref<4x4x1024xf32, #tpu.memory_space<vmem>>, vector<1x1x16xf32>,
          %parallel_loop3A_315 = vector.shape_cast %parallel_loop3A_314 : vector<1x1x16xf32> to vector<16xf32>
          %parallel_loop3A_316 = vector.shape_cast %parallel_loop3A_307 : vector<16xf32> to vector<1x1x16xf32>
          tpu.vector_store %arg7[%parallel_loop3A_311, %parallel_loop3A_312, %parallel_loop3A_313], %parallel_loop3A_316 {add = true, strides = array<i32>} : memref<4x4x1024xf32, #tpu.memory_space<vmem>>, vector<1x1x16xf32>,
        } {sc.loop_unroll_factor = 16 : i64, sc.parallel_access}
      }
      %scan3A_217 = arith.constant 4 : i32
      %scan3A_218 = arith.constant 0 : i32
      %scan3A_219 = arith.constant 0 : i32
      %scan3A_220 = arith.constant 4 : i32
      %scan3A_221 = arith.addi %scan3A_219, %scan3A_220 : i32
      %scan3A_222 = arith.constant 1 : i32
      scf.for %scan3A_298 = %scan3A_219 to %scan3A_221 step %scan3A_222  : i32 {
        %parallel_loop3A = arith.constant 0 : i32
        %parallel_loop3A_299 = arith.constant 64 : i32
        %parallel_loop3A_300 = arith.constant 1 : i32
        scf.for %parallel_loop3A_301 = %parallel_loop3A to %parallel_loop3A_299 step %parallel_loop3A_300  : i32 {
          %parallel_loop3A_302 = arith.constant 16 : i32
          %parallel_loop3A_303 = arith.muli %parallel_loop3A_301, %parallel_loop3A_302 : i32
          %parallel_loop3A_304 = arith.index_cast %scan3A_298 : i32 to index
          %parallel_loop3A_305 = arith.index_cast %parallel_loop3A_303 : i32 to index
          %parallel_loop3A_306 = tpu.vector_load %arg11[%parallel_loop3A_304, %parallel_loop3A_305] {strides = array<i32>} : memref<4x1024xf32, #tpu.memory_space<vmem>>, vector<1x16xf32>,
          %parallel_loop3A_307 = vector.shape_cast %parallel_loop3A_306 : vector<1x16xf32> to vector<16xf32>
          %parallel_loop3A_308 = arith.constant 16 : i32
          %parallel_loop3A_309 = arith.muli %parallel_loop3A_301, %parallel_loop3A_308 : i32
          %parallel_loop3A_310 = arith.constant 3 : i32
          %parallel_loop3A_311 = arith.index_cast %parallel_loop3A_310 : i32 to index
          %parallel_loop3A_312 = arith.index_cast %scan3A_298 : i32 to index
          %parallel_loop3A_313 = arith.index_cast %parallel_loop3A_309 : i32 to index
          %parallel_loop3A_314 = tpu.vector_load %arg7[%parallel_loop3A_311, %parallel_loop3A_312, %parallel_loop3A_313] {strides = array<i32>} : memref<4x4x1024xf32, #tpu.memory_space<vmem>>, vector<1x1x16xf32>,
          %parallel_loop3A_315 = vector.shape_cast %parallel_loop3A_314 : vector<1x1x16xf32> to vector<16xf32>
          %parallel_loop3A_316 = vector.shape_cast %parallel_loop3A_307 : vector<16xf32> to vector<1x1x16xf32>
          tpu.vector_store %arg7[%parallel_loop3A_311, %parallel_loop3A_312, %parallel_loop3A_313], %parallel_loop3A_316 {add = true, strides = array<i32>} : memref<4x4x1024xf32, #tpu.memory_space<vmem>>, vector<1x1x16xf32>,
        } {sc.loop_unroll_factor = 16 : i64, sc.parallel_access}
      }
      %scan3A_223 = arith.constant 4 : i32
      %mul3A_224 = arith.constant 4 : i32
      %mul3A_225 = arith.muli %add3A_183, %mul3A_224 : i32
      %add3A_226 = arith.addi %mul3A_2, %mul3A_225 : i32
      %dma_start3A_227 = arith.constant 0 : i32
      %dma_start3A_228 = arith.constant 0 : i32
      %dma_start3A_229 = tpu.memref_slice %arg4[%dma_start3A_227, %add3A_226, %dma_start3A_228] : memref<4x4096x1024xf32, #tpu.memory_space<hbm>> -> memref<4x4x1024xf32, #tpu.memory_space<hbm>>
      %dma_start3A_230 = arith.constant 0 : i32
      %dma_start3A_231 = arith.constant 0 : i32
      %dma_start3A_232 = tpu.memref_slice %arg4[%dma_start3A_230, %add3A_226, %dma_start3A_231] : memref<4x4096x1024xf32, #tpu.memory_space<hbm>> -> memref<4x4x1024xf32, #tpu.memory_space<hbm>>
      tpu.enqueue_dma source(%arg7 : memref<4x4x1024xf32, #tpu.memory_space<vmem>>) target(%dma_start3A_232 : memref<4x4x1024xf32, #tpu.memory_space<hbm>>) target_semaphore(%arg19 : memref<!tpu.dma_semaphore, #tpu.memory_space<semaphore_mem>>)
      %add3A_233 = arith.constant 2 : i32
      %add3A_234 = arith.addi %add3A_183, %add3A_233 : i32
      %lt3A_235 = arith.constant 32 : i32
      %lt3A_236 = arith.cmpi slt, %add3A_234, %lt3A_235 : i32
      %convert_element_type3A_237 = arith.extui %lt3A_236 : i1 to i32
      %cond3A_238 = arith.constant 0 : i32
      %cond3A_239 = arith.cmpi ne, %convert_element_type3A_237, %cond3A_238 : i32
      scf.if %cond3A_239 {
        %ge3A = arith.constant 2 : i32
        %ge3A_298 = arith.cmpi sge, %add3A_183, %ge3A : i32
        %convert_element_type3A_299 = arith.extui %ge3A_298 : i1 to i32
        %cond3A_300 = arith.constant 0 : i32
        %cond3A_301 = arith.cmpi ne, %convert_element_type3A_299, %cond3A_300 : i32
        scf.if %cond3A_301 {
          %sub3A = arith.constant 2 : i32
          %sub3A_322 = arith.subi %add3A_183, %sub3A : i32
          %mul3A_323 = arith.constant 4 : i32
          %mul3A_324 = arith.muli %sub3A_322, %mul3A_323 : i32
          %add3A_325 = arith.addi %mul3A_2, %mul3A_324 : i32
          %dma_wait3A_326 = arith.constant 0 : i32
          %dma_wait3A_327 = arith.constant 0 : i32
          %dma_wait3A_328 = tpu.memref_slice %arg4[%dma_wait3A_326, %add3A_325, %dma_wait3A_327] : memref<4x4096x1024xf32, #tpu.memory_space<hbm>> -> memref<4x4x1024xf32, #tpu.memory_space<hbm>>
          %dma_wait3A_329 = arith.constant 0 : i32
          %dma_wait3A_330 = arith.constant 0 : i32
          %dma_wait3A_331 = tpu.memref_slice %arg4[%dma_wait3A_329, %add3A_325, %dma_wait3A_330] : memref<4x4096x1024xf32, #tpu.memory_space<hbm>> -> memref<4x4x1024xf32, #tpu.memory_space<hbm>>
          tpu.wait_dma2 semaphore(%arg17 : memref<!tpu.dma_semaphore, #tpu.memory_space<semaphore_mem>>) src(%arg5 : memref<4x4x1024xf32, #tpu.memory_space<vmem>>) dst(%dma_wait3A_331 : memref<4x4x1024xf32, #tpu.memory_space<hbm>>)
        } else {
        }
        %add3A_302 = arith.constant 2 : i32
        %add3A_303 = arith.addi %add3A_183, %add3A_302 : i32
        %mul3A_304 = arith.constant 4 : i32
        %mul3A_305 = arith.muli %add3A_303, %mul3A_304 : i32
        %add3A_306 = arith.addi %mul3A_2, %mul3A_305 : i32
        %dma_start3A_307 = arith.constant 0 : i32
        %dma_start3A_308 = arith.constant 0 : i32
        %dma_start3A_309 = tpu.memref_slice %arg2[%dma_start3A_307, %add3A_306, %dma_start3A_308] : memref<4x4096x1024xf32, #tpu.memory_space<hbm>> -> memref<4x4x1024xf32, #tpu.memory_space<hbm>>
        %dma_start3A_310 = arith.constant 0 : i32
        %dma_start3A_311 = arith.constant 0 : i32
        %dma_start3A_312 = tpu.memref_slice %arg2[%dma_start3A_310, %add3A_306, %dma_start3A_311] : memref<4x4096x1024xf32, #tpu.memory_space<hbm>> -> memref<4x4x1024xf32, #tpu.memory_space<hbm>>
        tpu.enqueue_dma source(%dma_start3A_312 : memref<4x4x1024xf32, #tpu.memory_space<hbm>>) target(%arg5 : memref<4x4x1024xf32, #tpu.memory_space<vmem>>) target_semaphore(%arg13 : memref<!tpu.dma_semaphore, #tpu.memory_space<semaphore_mem>>)
        %add3A_313 = arith.constant 2 : i32
        %add3A_314 = arith.addi %add3A_183, %add3A_313 : i32
        %mul3A_315 = arith.constant 4 : i32
        %mul3A_316 = arith.muli %add3A_314, %mul3A_315 : i32
        %add3A_317 = arith.addi %mul3A_2, %mul3A_316 : i32
        %dma_start3A_318 = arith.constant 0 : i32
        %dma_start3A_319 = tpu.memref_slice %arg3[%add3A_317, %dma_start3A_318] : memref<8192x1024xf32, #tpu.memory_space<hbm>> -> memref<4x1024xf32, #tpu.memory_space<hbm>>
        %dma_start3A_320 = arith.constant 0 : i32
        %dma_start3A_321 = tpu.memref_slice %arg3[%add3A_317, %dma_start3A_320] : memref<8192x1024xf32, #tpu.memory_space<hbm>> -> memref<4x1024xf32, #tpu.memory_space<hbm>>
        tpu.enqueue_dma source(%dma_start3A_321 : memref<4x1024xf32, #tpu.memory_space<hbm>>) target(%arg9 : memref<4x1024xf32, #tpu.memory_space<vmem>>) target_semaphore(%arg21 : memref<!tpu.dma_semaphore, #tpu.memory_space<semaphore_mem>>)
      } else {
      }
      %add3A_240 = arith.constant 3 : i32
      %add3A_241 = arith.addi %mul3A_68, %add3A_240 : i32
      %mul3A_242 = arith.constant 4 : i32
      %mul3A_243 = arith.muli %add3A_241, %mul3A_242 : i32
      %add3A_244 = arith.addi %mul3A_2, %mul3A_243 : i32
      %dma_wait3A_245 = arith.constant 0 : i32
      %dma_wait3A_246 = arith.constant 0 : i32
      %dma_wait3A_247 = tpu.memref_slice %arg2[%dma_wait3A_245, %add3A_244, %dma_wait3A_246] : memref<4x4096x1024xf32, #tpu.memory_space<hbm>> -> memref<4x4x1024xf32, #tpu.memory_space<hbm>>
      %dma_wait3A_248 = arith.constant 0 : i32
      %dma_wait3A_249 = arith.constant 0 : i32
      %dma_wait3A_250 = tpu.memref_slice %arg2[%dma_wait3A_248, %add3A_244, %dma_wait3A_249] : memref<4x4096x1024xf32, #tpu.memory_space<hbm>> -> memref<4x4x1024xf32, #tpu.memory_space<hbm>>
      tpu.wait_dma2 semaphore(%arg16 : memref<!tpu.dma_semaphore, #tpu.memory_space<semaphore_mem>>) src(%dma_wait3A_250 : memref<4x4x1024xf32, #tpu.memory_space<hbm>>) dst(%arg8 : memref<4x4x1024xf32, #tpu.memory_space<vmem>>)
      %mul3A_251 = arith.constant 4 : i32
      %mul3A_252 = arith.muli %add3A_241, %mul3A_251 : i32
      %add3A_253 = arith.addi %mul3A_2, %mul3A_252 : i32
      %dma_wait3A_254 = arith.constant 0 : i32
      %dma_wait3A_255 = tpu.memref_slice %arg3[%add3A_253, %dma_wait3A_254] : memref<8192x1024xf32, #tpu.memory_space<hbm>> -> memref<4x1024xf32, #tpu.memory_space<hbm>>
      %dma_wait3A_256 = arith.constant 0 : i32
      %dma_wait3A_257 = tpu.memref_slice %arg3[%add3A_253, %dma_wait3A_256] : memref<8192x1024xf32, #tpu.memory_space<hbm>> -> memref<4x1024xf32, #tpu.memory_space<hbm>>
      tpu.wait_dma2 semaphore(%arg24 : memref<!tpu.dma_semaphore, #tpu.memory_space<semaphore_mem>>) src(%dma_wait3A_257 : memref<4x1024xf32, #tpu.memory_space<hbm>>) dst(%arg12 : memref<4x1024xf32, #tpu.memory_space<vmem>>)
      %scan3A_258 = arith.constant 0 : i32
      %scan3A_259 = arith.constant 0 : i32
      %scan3A_260 = arith.constant 4 : i32
      %scan3A_261 = arith.addi %scan3A_259, %scan3A_260 : i32
      %scan3A_262 = arith.constant 1 : i32
      scf.for %scan3A_298 = %scan3A_259 to %scan3A_261 step %scan3A_262  : i32 {
        %parallel_loop3A = arith.constant 0 : i32
        %parallel_loop3A_299 = arith.constant 64 : i32
        %parallel_loop3A_300 = arith.constant 1 : i32
        scf.for %parallel_loop3A_301 = %parallel_loop3A to %parallel_loop3A_299 step %parallel_loop3A_300  : i32 {
          %parallel_loop3A_302 = arith.constant 16 : i32
          %parallel_loop3A_303 = arith.muli %parallel_loop3A_301, %parallel_loop3A_302 : i32
          %parallel_loop3A_304 = arith.index_cast %scan3A_298 : i32 to index
          %parallel_loop3A_305 = arith.index_cast %parallel_loop3A_303 : i32 to index
          %parallel_loop3A_306 = tpu.vector_load %arg12[%parallel_loop3A_304, %parallel_loop3A_305] {strides = array<i32>} : memref<4x1024xf32, #tpu.memory_space<vmem>>, vector<1x16xf32>,
          %parallel_loop3A_307 = vector.shape_cast %parallel_loop3A_306 : vector<1x16xf32> to vector<16xf32>
          %parallel_loop3A_308 = arith.constant 16 : i32
          %parallel_loop3A_309 = arith.muli %parallel_loop3A_301, %parallel_loop3A_308 : i32
          %parallel_loop3A_310 = arith.constant 0 : i32
          %parallel_loop3A_311 = arith.index_cast %parallel_loop3A_310 : i32 to index
          %parallel_loop3A_312 = arith.index_cast %scan3A_298 : i32 to index
          %parallel_loop3A_313 = arith.index_cast %parallel_loop3A_309 : i32 to index
          %parallel_loop3A_314 = tpu.vector_load %arg8[%parallel_loop3A_311, %parallel_loop3A_312, %parallel_loop3A_313] {strides = array<i32>} : memref<4x4x1024xf32, #tpu.memory_space<vmem>>, vector<1x1x16xf32>,
          %parallel_loop3A_315 = vector.shape_cast %parallel_loop3A_314 : vector<1x1x16xf32> to vector<16xf32>
          %parallel_loop3A_316 = vector.shape_cast %parallel_loop3A_307 : vector<16xf32> to vector<1x1x16xf32>
          tpu.vector_store %arg8[%parallel_loop3A_311, %parallel_loop3A_312, %parallel_loop3A_313], %parallel_loop3A_316 {add = true, strides = array<i32>} : memref<4x4x1024xf32, #tpu.memory_space<vmem>>, vector<1x1x16xf32>,
        } {sc.loop_unroll_factor = 16 : i64, sc.parallel_access}
      }
      %scan3A_263 = arith.constant 4 : i32
      %scan3A_264 = arith.constant 0 : i32
      %scan3A_265 = arith.constant 0 : i32
      %scan3A_266 = arith.constant 4 : i32
      %scan3A_267 = arith.addi %scan3A_265, %scan3A_266 : i32
      %scan3A_268 = arith.constant 1 : i32
      scf.for %scan3A_298 = %scan3A_265 to %scan3A_267 step %scan3A_268  : i32 {
        %parallel_loop3A = arith.constant 0 : i32
        %parallel_loop3A_299 = arith.constant 64 : i32
        %parallel_loop3A_300 = arith.constant 1 : i32
        scf.for %parallel_loop3A_301 = %parallel_loop3A to %parallel_loop3A_299 step %parallel_loop3A_300  : i32 {
          %parallel_loop3A_302 = arith.constant 16 : i32
          %parallel_loop3A_303 = arith.muli %parallel_loop3A_301, %parallel_loop3A_302 : i32
          %parallel_loop3A_304 = arith.index_cast %scan3A_298 : i32 to index
          %parallel_loop3A_305 = arith.index_cast %parallel_loop3A_303 : i32 to index
          %parallel_loop3A_306 = tpu.vector_load %arg12[%parallel_loop3A_304, %parallel_loop3A_305] {strides = array<i32>} : memref<4x1024xf32, #tpu.memory_space<vmem>>, vector<1x16xf32>,
          %parallel_loop3A_307 = vector.shape_cast %parallel_loop3A_306 : vector<1x16xf32> to vector<16xf32>
          %parallel_loop3A_308 = arith.constant 16 : i32
          %parallel_loop3A_309 = arith.muli %parallel_loop3A_301, %parallel_loop3A_308 : i32
          %parallel_loop3A_310 = arith.constant 1 : i32
          %parallel_loop3A_311 = arith.index_cast %parallel_loop3A_310 : i32 to index
          %parallel_loop3A_312 = arith.index_cast %scan3A_298 : i32 to index
          %parallel_loop3A_313 = arith.index_cast %parallel_loop3A_309 : i32 to index
          %parallel_loop3A_314 = tpu.vector_load %arg8[%parallel_loop3A_311, %parallel_loop3A_312, %parallel_loop3A_313] {strides = array<i32>} : memref<4x4x1024xf32, #tpu.memory_space<vmem>>, vector<1x1x16xf32>,
          %parallel_loop3A_315 = vector.shape_cast %parallel_loop3A_314 : vector<1x1x16xf32> to vector<16xf32>
          %parallel_loop3A_316 = vector.shape_cast %parallel_loop3A_307 : vector<16xf32> to vector<1x1x16xf32>
          tpu.vector_store %arg8[%parallel_loop3A_311, %parallel_loop3A_312, %parallel_loop3A_313], %parallel_loop3A_316 {add = true, strides = array<i32>} : memref<4x4x1024xf32, #tpu.memory_space<vmem>>, vector<1x1x16xf32>,
        } {sc.loop_unroll_factor = 16 : i64, sc.parallel_access}
      }
      %scan3A_269 = arith.constant 4 : i32
      %scan3A_270 = arith.constant 0 : i32
      %scan3A_271 = arith.constant 0 : i32
      %scan3A_272 = arith.constant 4 : i32
      %scan3A_273 = arith.addi %scan3A_271, %scan3A_272 : i32
      %scan3A_274 = arith.constant 1 : i32
      scf.for %scan3A_298 = %scan3A_271 to %scan3A_273 step %scan3A_274  : i32 {
        %parallel_loop3A = arith.constant 0 : i32
        %parallel_loop3A_299 = arith.constant 64 : i32
        %parallel_loop3A_300 = arith.constant 1 : i32
        scf.for %parallel_loop3A_301 = %parallel_loop3A to %parallel_loop3A_299 step %parallel_loop3A_300  : i32 {
          %parallel_loop3A_302 = arith.constant 16 : i32
          %parallel_loop3A_303 = arith.muli %parallel_loop3A_301, %parallel_loop3A_302 : i32
          %parallel_loop3A_304 = arith.index_cast %scan3A_298 : i32 to index
          %parallel_loop3A_305 = arith.index_cast %parallel_loop3A_303 : i32 to index
          %parallel_loop3A_306 = tpu.vector_load %arg12[%parallel_loop3A_304, %parallel_loop3A_305] {strides = array<i32>} : memref<4x1024xf32, #tpu.memory_space<vmem>>, vector<1x16xf32>,
          %parallel_loop3A_307 = vector.shape_cast %parallel_loop3A_306 : vector<1x16xf32> to vector<16xf32>
          %parallel_loop3A_308 = arith.constant 16 : i32
          %parallel_loop3A_309 = arith.muli %parallel_loop3A_301, %parallel_loop3A_308 : i32
          %parallel_loop3A_310 = arith.constant 2 : i32
          %parallel_loop3A_311 = arith.index_cast %parallel_loop3A_310 : i32 to index
          %parallel_loop3A_312 = arith.index_cast %scan3A_298 : i32 to index
          %parallel_loop3A_313 = arith.index_cast %parallel_loop3A_309 : i32 to index
          %parallel_loop3A_314 = tpu.vector_load %arg8[%parallel_loop3A_311, %parallel_loop3A_312, %parallel_loop3A_313] {strides = array<i32>} : memref<4x4x1024xf32, #tpu.memory_space<vmem>>, vector<1x1x16xf32>,
          %parallel_loop3A_315 = vector.shape_cast %parallel_loop3A_314 : vector<1x1x16xf32> to vector<16xf32>
          %parallel_loop3A_316 = vector.shape_cast %parallel_loop3A_307 : vector<16xf32> to vector<1x1x16xf32>
          tpu.vector_store %arg8[%parallel_loop3A_311, %parallel_loop3A_312, %parallel_loop3A_313], %parallel_loop3A_316 {add = true, strides = array<i32>} : memref<4x4x1024xf32, #tpu.memory_space<vmem>>, vector<1x1x16xf32>,
        } {sc.loop_unroll_factor = 16 : i64, sc.parallel_access}
      }
      %scan3A_275 = arith.constant 4 : i32
      %scan3A_276 = arith.constant 0 : i32
      %scan3A_277 = arith.constant 0 : i32
      %scan3A_278 = arith.constant 4 : i32
      %scan3A_279 = arith.addi %scan3A_277, %scan3A_278 : i32
      %scan3A_280 = arith.constant 1 : i32
      scf.for %scan3A_298 = %scan3A_277 to %scan3A_279 step %scan3A_280  : i32 {
        %parallel_loop3A = arith.constant 0 : i32
        %parallel_loop3A_299 = arith.constant 64 : i32
        %parallel_loop3A_300 = arith.constant 1 : i32
        scf.for %parallel_loop3A_301 = %parallel_loop3A to %parallel_loop3A_299 step %parallel_loop3A_300  : i32 {
          %parallel_loop3A_302 = arith.constant 16 : i32
          %parallel_loop3A_303 = arith.muli %parallel_loop3A_301, %parallel_loop3A_302 : i32
          %parallel_loop3A_304 = arith.index_cast %scan3A_298 : i32 to index
          %parallel_loop3A_305 = arith.index_cast %parallel_loop3A_303 : i32 to index
          %parallel_loop3A_306 = tpu.vector_load %arg12[%parallel_loop3A_304, %parallel_loop3A_305] {strides = array<i32>} : memref<4x1024xf32, #tpu.memory_space<vmem>>, vector<1x16xf32>,
          %parallel_loop3A_307 = vector.shape_cast %parallel_loop3A_306 : vector<1x16xf32> to vector<16xf32>
          %parallel_loop3A_308 = arith.constant 16 : i32
          %parallel_loop3A_309 = arith.muli %parallel_loop3A_301, %parallel_loop3A_308 : i32
          %parallel_loop3A_310 = arith.constant 3 : i32
          %parallel_loop3A_311 = arith.index_cast %parallel_loop3A_310 : i32 to index
          %parallel_loop3A_312 = arith.index_cast %scan3A_298 : i32 to index
          %parallel_loop3A_313 = arith.index_cast %parallel_loop3A_309 : i32 to index
          %parallel_loop3A_314 = tpu.vector_load %arg8[%parallel_loop3A_311, %parallel_loop3A_312, %parallel_loop3A_313] {strides = array<i32>} : memref<4x4x1024xf32, #tpu.memory_space<vmem>>, vector<1x1x16xf32>,
          %parallel_loop3A_315 = vector.shape_cast %parallel_loop3A_314 : vector<1x1x16xf32> to vector<16xf32>
          %parallel_loop3A_316 = vector.shape_cast %parallel_loop3A_307 : vector<16xf32> to vector<1x1x16xf32>
          tpu.vector_store %arg8[%parallel_loop3A_311, %parallel_loop3A_312, %parallel_loop3A_313], %parallel_loop3A_316 {add = true, strides = array<i32>} : memref<4x4x1024xf32, #tpu.memory_space<vmem>>, vector<1x1x16xf32>,
        } {sc.loop_unroll_factor = 16 : i64, sc.parallel_access}
      }
      %scan3A_281 = arith.constant 4 : i32
      %mul3A_282 = arith.constant 4 : i32
      %mul3A_283 = arith.muli %add3A_241, %mul3A_282 : i32
      %add3A_284 = arith.addi %mul3A_2, %mul3A_283 : i32
      %dma_start3A_285 = arith.constant 0 : i32
      %dma_start3A_286 = arith.constant 0 : i32
      %dma_start3A_287 = tpu.memref_slice %arg4[%dma_start3A_285, %add3A_284, %dma_start3A_286] : memref<4x4096x1024xf32, #tpu.memory_space<hbm>> -> memref<4x4x1024xf32, #tpu.memory_space<hbm>>
      %dma_start3A_288 = arith.constant 0 : i32
      %dma_start3A_289 = arith.constant 0 : i32
      %dma_start3A_290 = tpu.memref_slice %arg4[%dma_start3A_288, %add3A_284, %dma_start3A_289] : memref<4x4096x1024xf32, #tpu.memory_space<hbm>> -> memref<4x4x1024xf32, #tpu.memory_space<hbm>>
      tpu.enqueue_dma source(%arg8 : memref<4x4x1024xf32, #tpu.memory_space<vmem>>) target(%dma_start3A_290 : memref<4x4x1024xf32, #tpu.memory_space<hbm>>) target_semaphore(%arg20 : memref<!tpu.dma_semaphore, #tpu.memory_space<semaphore_mem>>)
      %add3A_291 = arith.constant 2 : i32
      %add3A_292 = arith.addi %add3A_241, %add3A_291 : i32
      %lt3A_293 = arith.constant 32 : i32
      %lt3A_294 = arith.cmpi slt, %add3A_292, %lt3A_293 : i32
      %convert_element_type3A_295 = arith.extui %lt3A_294 : i1 to i32
      %cond3A_296 = arith.constant 0 : i32
      %cond3A_297 = arith.cmpi ne, %convert_element_type3A_295, %cond3A_296 : i32
      scf.if %cond3A_297 {
        %ge3A = arith.constant 2 : i32
        %ge3A_298 = arith.cmpi sge, %add3A_241, %ge3A : i32
        %convert_element_type3A_299 = arith.extui %ge3A_298 : i1 to i32
        %cond3A_300 = arith.constant 0 : i32
        %cond3A_301 = arith.cmpi ne, %convert_element_type3A_299, %cond3A_300 : i32
        scf.if %cond3A_301 {
          %sub3A = arith.constant 2 : i32
          %sub3A_322 = arith.subi %add3A_241, %sub3A : i32
          %mul3A_323 = arith.constant 4 : i32
          %mul3A_324 = arith.muli %sub3A_322, %mul3A_323 : i32
          %add3A_325 = arith.addi %mul3A_2, %mul3A_324 : i32
          %dma_wait3A_326 = arith.constant 0 : i32
          %dma_wait3A_327 = arith.constant 0 : i32
          %dma_wait3A_328 = tpu.memref_slice %arg4[%dma_wait3A_326, %add3A_325, %dma_wait3A_327] : memref<4x4096x1024xf32, #tpu.memory_space<hbm>> -> memref<4x4x1024xf32, #tpu.memory_space<hbm>>
          %dma_wait3A_329 = arith.constant 0 : i32
          %dma_wait3A_330 = arith.constant 0 : i32
          %dma_wait3A_331 = tpu.memref_slice %arg4[%dma_wait3A_329, %add3A_325, %dma_wait3A_330] : memref<4x4096x1024xf32, #tpu.memory_space<hbm>> -> memref<4x4x1024xf32, #tpu.memory_space<hbm>>
          tpu.wait_dma2 semaphore(%arg18 : memref<!tpu.dma_semaphore, #tpu.memory_space<semaphore_mem>>) src(%arg6 : memref<4x4x1024xf32, #tpu.memory_space<vmem>>) dst(%dma_wait3A_331 : memref<4x4x1024xf32, #tpu.memory_space<hbm>>)
        } else {
        }
        %add3A_302 = arith.constant 2 : i32
        %add3A_303 = arith.addi %add3A_241, %add3A_302 : i32
        %mul3A_304 = arith.constant 4 : i32
        %mul3A_305 = arith.muli %add3A_303, %mul3A_304 : i32
        %add3A_306 = arith.addi %mul3A_2, %mul3A_305 : i32
        %dma_start3A_307 = arith.constant 0 : i32
        %dma_start3A_308 = arith.constant 0 : i32
        %dma_start3A_309 = tpu.memref_slice %arg2[%dma_start3A_307, %add3A_306, %dma_start3A_308] : memref<4x4096x1024xf32, #tpu.memory_space<hbm>> -> memref<4x4x1024xf32, #tpu.memory_space<hbm>>
        %dma_start3A_310 = arith.constant 0 : i32
        %dma_start3A_311 = arith.constant 0 : i32
        %dma_start3A_312 = tpu.memref_slice %arg2[%dma_start3A_310, %add3A_306, %dma_start3A_311] : memref<4x4096x1024xf32, #tpu.memory_space<hbm>> -> memref<4x4x1024xf32, #tpu.memory_space<hbm>>
        tpu.enqueue_dma source(%dma_start3A_312 : memref<4x4x1024xf32, #tpu.memory_space<hbm>>) target(%arg6 : memref<4x4x1024xf32, #tpu.memory_space<vmem>>) target_semaphore(%arg14 : memref<!tpu.dma_semaphore, #tpu.memory_space<semaphore_mem>>)
        %add3A_313 = arith.constant 2 : i32
        %add3A_314 = arith.addi %add3A_241, %add3A_313 : i32
        %mul3A_315 = arith.constant 4 : i32
        %mul3A_316 = arith.muli %add3A_314, %mul3A_315 : i32
        %add3A_317 = arith.addi %mul3A_2, %mul3A_316 : i32
        %dma_start3A_318 = arith.constant 0 : i32
        %dma_start3A_319 = tpu.memref_slice %arg3[%add3A_317, %dma_start3A_318] : memref<8192x1024xf32, #tpu.memory_space<hbm>> -> memref<4x1024xf32, #tpu.memory_space<hbm>>
        %dma_start3A_320 = arith.constant 0 : i32
        %dma_start3A_321 = tpu.memref_slice %arg3[%add3A_317, %dma_start3A_320] : memref<8192x1024xf32, #tpu.memory_space<hbm>> -> memref<4x1024xf32, #tpu.memory_space<hbm>>
        tpu.enqueue_dma source(%dma_start3A_321 : memref<4x1024xf32, #tpu.memory_space<hbm>>) target(%arg10 : memref<4x1024xf32, #tpu.memory_space<vmem>>) target_semaphore(%arg22 : memref<!tpu.dma_semaphore, #tpu.memory_space<semaphore_mem>>)
      } else {
      }
    }
    %scan3A_34 = arith.constant 8 : i32
    %add3A_35 = arith.constant 112 : i32
    %add3A_36 = arith.addi %mul3A_2, %add3A_35 : i32
    %dma_wait3A = arith.constant 0 : i32
    %dma_wait3A_37 = arith.constant 0 : i32
    %dma_wait3A_38 = tpu.memref_slice %arg4[%dma_wait3A, %add3A_36, %dma_wait3A_37] : memref<4x4096x1024xf32, #tpu.memory_space<hbm>> -> memref<4x4x1024xf32, #tpu.memory_space<hbm>>
    %dma_wait3A_39 = arith.constant 0 : i32
    %dma_wait3A_40 = arith.constant 0 : i32
    %dma_wait3A_41 = tpu.memref_slice %arg4[%dma_wait3A_39, %add3A_36, %dma_wait3A_40] : memref<4x4096x1024xf32, #tpu.memory_space<hbm>> -> memref<4x4x1024xf32, #tpu.memory_space<hbm>>
    tpu.wait_dma2 semaphore(%arg17 : memref<!tpu.dma_semaphore, #tpu.memory_space<semaphore_mem>>) src(%arg5 : memref<4x4x1024xf32, #tpu.memory_space<vmem>>) dst(%dma_wait3A_41 : memref<4x4x1024xf32, #tpu.memory_space<hbm>>)
    %add3A_42 = arith.constant 116 : i32
    %add3A_43 = arith.addi %mul3A_2, %add3A_42 : i32
    %dma_wait3A_44 = arith.constant 0 : i32
    %dma_wait3A_45 = arith.constant 0 : i32
    %dma_wait3A_46 = tpu.memref_slice %arg4[%dma_wait3A_44, %add3A_43, %dma_wait3A_45] : memref<4x4096x1024xf32, #tpu.memory_space<hbm>> -> memref<4x4x1024xf32, #tpu.memory_space<hbm>>
    %dma_wait3A_47 = arith.constant 0 : i32
    %dma_wait3A_48 = arith.constant 0 : i32
    %dma_wait3A_49 = tpu.memref_slice %arg4[%dma_wait3A_47, %add3A_43, %dma_wait3A_48] : memref<4x4096x1024xf32, #tpu.memory_space<hbm>> -> memref<4x4x1024xf32, #tpu.memory_space<hbm>>
    tpu.wait_dma2 semaphore(%arg18 : memref<!tpu.dma_semaphore, #tpu.memory_space<semaphore_mem>>) src(%arg6 : memref<4x4x1024xf32, #tpu.memory_space<vmem>>) dst(%dma_wait3A_49 : memref<4x4x1024xf32, #tpu.memory_space<hbm>>)
    %add3A_50 = arith.constant 120 : i32
    %add3A_51 = arith.addi %mul3A_2, %add3A_50 : i32
    %dma_wait3A_52 = arith.constant 0 : i32
    %dma_wait3A_53 = arith.constant 0 : i32
    %dma_wait3A_54 = tpu.memref_slice %arg4[%dma_wait3A_52, %add3A_51, %dma_wait3A_53] : memref<4x4096x1024xf32, #tpu.memory_space<hbm>> -> memref<4x4x1024xf32, #tpu.memory_space<hbm>>
    %dma_wait3A_55 = arith.constant 0 : i32
    %dma_wait3A_56 = arith.constant 0 : i32
    %dma_wait3A_57 = tpu.memref_slice %arg4[%dma_wait3A_55, %add3A_51, %dma_wait3A_56] : memref<4x4096x1024xf32, #tpu.memory_space<hbm>> -> memref<4x4x1024xf32, #tpu.memory_space<hbm>>
    tpu.wait_dma2 semaphore(%arg19 : memref<!tpu.dma_semaphore, #tpu.memory_space<semaphore_mem>>) src(%arg7 : memref<4x4x1024xf32, #tpu.memory_space<vmem>>) dst(%dma_wait3A_57 : memref<4x4x1024xf32, #tpu.memory_space<hbm>>)
    %add3A_58 = arith.constant 124 : i32
    %add3A_59 = arith.addi %mul3A_2, %add3A_58 : i32
    %dma_wait3A_60 = arith.constant 0 : i32
    %dma_wait3A_61 = arith.constant 0 : i32
    %dma_wait3A_62 = tpu.memref_slice %arg4[%dma_wait3A_60, %add3A_59, %dma_wait3A_61] : memref<4x4096x1024xf32, #tpu.memory_space<hbm>> -> memref<4x4x1024xf32, #tpu.memory_space<hbm>>
    %dma_wait3A_63 = arith.constant 0 : i32
    %dma_wait3A_64 = arith.constant 0 : i32
    %dma_wait3A_65 = tpu.memref_slice %arg4[%dma_wait3A_63, %add3A_59, %dma_wait3A_64] : memref<4x4096x1024xf32, #tpu.memory_space<hbm>> -> memref<4x4x1024xf32, #tpu.memory_space<hbm>>
    tpu.wait_dma2 semaphore(%arg20 : memref<!tpu.dma_semaphore, #tpu.memory_space<semaphore_mem>>) src(%arg8 : memref<4x4x1024xf32, #tpu.memory_space<vmem>>) dst(%dma_wait3A_65 : memref<4x4x1024xf32, #tpu.memory_space<hbm>>)
    return
  }
}

</mosaic_0001>

<sc_bundles>
// kernel: kernel.3.cloned.1.call-start
scs
__scs_entry_jumppad:
0x0: {  	(pc) =	sbr.rel $0x88, $3  }
0x1: {  	(tag) =	ssettag $0x0;
	lr =	simm.s32 $0x1  }
0x2: {  	[smem:$0x3F9F] =	sst lr;
	_ =	strace $0xD0000000  }
0x3: {  	_ = 	snop  }
0x4: {  	_ = 	snop  }
0x5: {  	_ = 	snop  }
0x6: {  	_ = 	snop  }
0x7: {  	_ = 	snop  }
__scs_overlays_trampoline_lowered:
0x8: {  	[smem:$0x3FAE] =	sst s0  }
0x9: {  	[smem:$0x3FAF] =	sst s1  }
0xa: {  	[smem:$0x3FB0] =	sst s2  }
0xb: {  	[smem:$0x3FB1] =	sst s3  }
0xc: {  	[smem:$0x3FB2] =	sst s4  }
0xd: {  	[smem:$0x3FB3] =	sst s5  }
0xe: {  	[smem:$0x3FB4] =	sst s6  }
0xf: {  	[smem:$0x3FB5] =	sst s7  }
0x10: {  	[smem:$0x3FB6] =	sst s8  }
0x11: {  	[smem:$0x3FB7] =	sst s9;
	s0 =	simm.s32 @!p0 $0x0  }
0x12: {  	s1 =	sld [smem:$0x3F9D];
	s0 =	simm.s32 @p0 $0x1  }
0x13: {  	[smem:$0x3FB8] =	sst s0;
	s0 =	simm.s32 @!p1 $0x0  }
0x14: {  	s2 =	sld [smem:$0x3F9C];
	s0 =	simm.s32 @p1 $0x1  }
0x15: {  	[smem:$0x3FB9] =	sst s0;
	s0 =	simm.s32 @!p2 $0x0  }
0x16: {  	s3 =	sld [smem:$0x3FDB];
	s0 =	simm.s32 @p2 $0x1  }
0x17: {  	s4 =	simm.s32 $0x1BF5;
	[smem:$0x3FBB] =	sst s0  }
0x18: {  	s0 =	sld [smem:$0x3F9E];
	_ =	swait.ge [sflag:s4], $0x0  }
0x19: {  	s7 =	sld [smem:$0x3F9F]  }
0x1a: {  	s8 =	sadd.s32 $0xFFFFE003, lr  }
0x1b: {  	s9 =	sadd.s32 $0xFFFFFEF7, lr;
	s5 =	simm.s32 $0xFFFFFFFF;
	p2 =	slt.u32 s8, $0xFFFFF086  }
0x1c: {  	p1 =	slt.u32 s9, $0xF7A;
	s5 =	simm.s32 @!p2 $0x0  }
0x1d: {  	s5 =	simm.s32 @p1 $0x1;
	p0 =	seq.s32 s7, s2  }
0x1e: {  	s7 =	smul.u32 @!p0 $0xF7A, s2;
	p2 =	seq.s32 @!p0 s5, $0x0  }
0x1f: {  	s9 =	smul.u32 $0xF7A, s1;
	s8 =	simm.s32 @!p0 $0x1BF5;
	p2 =	por !p2, p0  }
0x20: {  	[sflag:s8] =	ssyncset.s32 @!p0 $0xFFFFF086;
	s6 =	sadd.s32 @!p0 s3, s7;
	s7 =	simm.s32 @!p0 $0x108  }
0x21: {  	s3 =	sadd.s32 s3, s9;
	s6 =	sadd.s32 @!p0 $0x88, s6;
	s7 =	simm.s32 @p2 $0x1082  }
0x22: {  	[simem:s7], [sflag:s8] =	dma.local @!p0 [hbm:s6], $0xF7A  }
0x23: {  	s9 =	sor.u32 $0xD0000000, s2;
	s6 =	simm.s32 $0x108;
	_ =	swait.ge @!p0 [sflag:s8], $0x0  }
0x24: {  	s3 =	sadd.s32 $0x88, s3;
	s6 =	simm.s32 @!p1 $0x1082;
	[sflag:s4] =	ssyncset.s32 $0xFFFFF086  }
0x25: {  	[simem:s6], [sflag:s4] =	dma.local [hbm:s3], $0xF7A  }
0x26: {  	[smem:$0x3F9F] =	sst s1;
	(tag) =	ssettag s2;
	_ =	strace s9  }
0x27: {  	s1 =	sld [smem:$0x3FAF]  }
0x28: {  	s2 =	sld [smem:$0x3FB0]  }
0x29: {  	s4 =	sld [smem:$0x3FB2]  }
0x2a: {  	p0 =	seq.s32 s5, $0x0;
	s5 =	sld [smem:$0x3FB3]  }
0x2b: {  	s6 =	sld [smem:$0x3FB4]  }
0x2c: {  	s7 =	sld [smem:$0x3FB5]  }
0x2d: {  	s3 =	simm.s32 $0x108;
	s8 =	sld [smem:$0x3FB6]  }
0x2e: {  	s3 =	simm.s32 @!p0 $0x1082;
	s9 =	sld [smem:$0x3FB7]  }
0x2f: {  	lr =	sadd.s32 s0, s3;
	s0 =	sld [smem:$0x3FAE]  }
0x30: {  	s3 =	sld [smem:$0x3FB1]  }
0x31: {  	[smem:$0x3FBA] =	sst s10  }
0x32: {  	s10 =	sld [smem:$0x3FB8];
	_ =	sdelay $0x3  }
0x33: {  	p0 =	seq.s32 s10, $0x1;
	s10 =	sld [smem:$0x3FBA];
	_ =	sdelay $0x3  }
0x34: {  	[smem:$0x3FBA] =	sst s10  }
0x35: {  	s10 =	sld [smem:$0x3FB9];
	_ =	sdelay $0x3  }
0x36: {  	p1 =	seq.s32 s10, $0x1;
	s10 =	sld [smem:$0x3FBA];
	_ =	sdelay $0x3  }
0x37: {  	[smem:$0x3FBA] =	sst s10  }
0x38: {  	s10 =	sld [smem:$0x3FBB]  }
0x39: {  	_ = 	snop;
	(pc) =	sbr.ind lr, $3  }
0x3a: {  	_ = 	snop  }
0x3b: {  	_ = 	snop  }
0x3c: {  	p2 =	seq.s32 s10, $0x1;
	s10 =	sld [smem:$0x3FBA]  }
0x3d: {  	_ =	shalt  }
0x3e: {  	_ =	shalt  }
0x3f: {  	_ =	shalt  }
0x40: {  	_ =	shalt  }
0x41: {  	_ =	shalt  }
0x42: {  	_ =	shalt  }
0x43: {  	_ =	shalt  }
0x44: {  	_ =	shalt  }
0x45: {  	_ =	shalt  }
0x46: {  	_ =	shalt  }
0x47: {  	_ =	shalt  }
0x48: {  	_ =	shalt  }
0x49: {  	_ =	shalt  }
0x4a: {  	_ =	shalt  }
0x4b: {  	_ =	shalt  }
0x4c: {  	_ =	shalt  }
0x4d: {  	_ =	shalt  }
0x4e: {  	_ =	shalt  }
0x4f: {  	_ =	shalt  }
0x50: {  	_ =	shalt  }
0x51: {  	_ =	shalt  }
0x52: {  	_ =	shalt  }
0x53: {  	_ =	shalt  }
0x54: {  	_ =	shalt  }
0x55: {  	_ =	shalt  }
0x56: {  	_ =	shalt  }
0x57: {  	_ =	shalt  }
0x58: {  	_ =	shalt  }
0x59: {  	_ =	shalt  }
0x5a: {  	_ =	shalt  }
0x5b: {  	_ =	shalt  }
0x5c: {  	_ =	shalt  }
0x5d: {  	_ =	shalt  }
0x5e: {  	_ =	shalt  }
0x5f: {  	_ =	shalt  }
0x60: {  	_ =	shalt  }
0x61: {  	_ =	shalt  }
0x62: {  	_ =	shalt  }
0x63: {  	_ =	shalt  }
0x64: {  	_ =	shalt  }
0x65: {  	_ =	shalt  }
0x66: {  	_ =	shalt  }
0x67: {  	_ =	shalt  }
0x68: {  	_ =	shalt  }
0x69: {  	_ =	shalt  }
0x6a: {  	_ =	shalt  }
0x6b: {  	_ =	shalt  }
0x6c: {  	_ =	shalt  }
0x6d: {  	_ =	shalt  }
0x6e: {  	_ =	shalt  }
0x6f: {  	_ =	shalt  }
0x70: {  	_ =	shalt  }
0x71: {  	_ =	shalt  }
0x72: {  	_ =	shalt  }
0x73: {  	_ =	shalt  }
0x74: {  	_ =	shalt  }
0x75: {  	_ =	shalt  }
0x76: {  	_ =	shalt  }
0x77: {  	_ =	shalt  }
0x78: {  	_ =	shalt  }
0x79: {  	_ =	shalt  }
0x7a: {  	_ =	shalt  }
0x7b: {  	_ =	shalt  }
0x7c: {  	_ =	shalt  }
0x7d: {  	_ =	shalt  }
0x7e: {  	_ =	shalt  }
0x7f: {  	_ =	shalt  }
0x80: {  	_ =	shalt  }
0x81: {  	_ =	shalt  }
0x82: {  	_ =	shalt  }
0x83: {  	_ =	shalt  }
0x84: {  	_ =	shalt  }
0x85: {  	_ =	shalt  }
0x86: {  	_ =	shalt  }
0x87: {  	_ =	shalt  }
.Lfunc_end0:
.L_simem_size_0:
called_computation_lowered:
.L_overlay_start_0:
0x88: {  	s2 =	sld [smem:$0x3FD9]  }
0x89: {  	s3 =	sld [smem:$0x3FFE];
	_ =	sdelay $0x1  }
0x8a: {  	s1 =	srdreg.scid  }
0x8b: {  	s0 =	sand.u32 $0x1, s1  }
0x8c: {  	s18 =	sshll.u32 s0, $0xA;
	s2 =	sadd.s32 s3, s2  }
0x8d: {  	s2 =	sadd.s32 s2, s18  }
0x8e: {  	[smem:$0x3FC6] =	sst s2  }
0x8f: {  	_ = 	snop  }
0x90: {  	s2 =	sld [smem:$0x3FC9]  }
0x91: {  	s19 =	sld [smem:$0x3FC8]  }
0x92: {  	s4 =	sld [smem:$0x3FD0];
	(tm) =	ssettm $0x1  }
0x93: {  	s5 =	sld [smem:$0x3FFB];
	_ =	sdelay $0x3  }
0x94: {  	_ =	strace s5  }
0x95: {  	s5 =	sld [smem:$0x3FFC];
	_ =	sdelay $0x3  }
0x96: {  	_ =	strace s5  }
0x97: {  	s5 =	sld [smem:$0x3FFD];
	_ =	sdelay $0x3  }
0x98: {  	_ =	strace s5  }
0x99: {  	_ =	strace $0x8FFFFFFF  }
0x9a: {  	s20 =	sld [smem:$0x3FDB];
	_ =	sdelay $0x1  }
0x9b: {  	s6 =	simm.s32 $_scs_section_size  }
0x9c: {  	s7 =	simm.s32 $_size__tile_overlayer_lowered;
	s8 =	simm.s32 $_tile_overlayer_lowered  }
0x9d: {  	s23 =	simm.s32 $0x1BFF;
	s22 =	sshll.u32 s8, $0x1;
	s5 =	sadd.s32 s6, s20  }
0x9e: {  	s9 =	simm.s32 $0x0;
	s21 =	sshll.u32 s7, $0x1;
	s7 =	sadd.s32 s22, s5  }
0x9f: {  	[timem:s9], [sflag:s23] =	dma.local [hbm:s7], s21  }
0xa0: {  	_ =	swait.ge [sflag:s23], s21  }
0xa1: {  	s6 =	ssub.s32 $0x0, s21;
	[sflag:s23] =	ssyncset.done $0x0  }
0xa2: {  	[sflag:s23] =	ssyncadd.s32 s6;
	_ =	sdelay $0x1  }
0xa3: {  	s24 =	simm.s32 $0x1B8B  }
0xa4: {  	_ =	swait.ge [sflag:s24], $0x1  }
0xa5: {  	[sflag:s24] =	ssyncset.done $0x0  }
0xa6: {  	s25 =	simm.s32 $0x1B8E;
	[sflag:s24] =	ssyncadd.s32 $0xFFFFFFFF  }
0xa7: {  	s26 =	simm.s32 $execute0_lowered;
	[smem:$0x3FD2] =	sst s25  }
0xa8: {  	s6 =	sshll.u32 s26, $0x1;
	_ =	strace $0x80000046;
	[dreg:$0x1] =	wrdreg $0xFFFFFFFF  }
0xa9: {  	s28 =	simm.s32 $_size_execute0_lowered;
	s5 =	sadd.s32 s5, s6;
	[dreg:$0x0] =	wrdreg $0x0  }
0xaa: {  	s6 =	sshll.u32 s28, $0x1;
	[dreg:$0x2] =	wrdreg s5  }
0xab: {  	[dreg:$0x3] =	wrdreg s6  }
0xac: {  	[dreg:$0x4] =	wrdreg $0xC0  }
0xad: {  	_ =	task [dreg:s9], $0x5FFFF  }
0xae: {  	[dreg:$0x1] =	wrdreg $0xFFFFFFFF  }
0xaf: {  	[dreg:$0x0] =	wrdreg $0x60  }
0xb0: {  	[dreg:$0x2] =	wrdreg s2  }
0xb1: {  	[dreg:$0x3] =	wrdreg s19  }
0xb2: {  	[dreg:$0x4] =	wrdreg s4  }
0xb3: {  	[dreg:$0x5] =	wrdreg $0x9  }
0xb4: {  	_ =	task.clear_ibuf [dreg:s9], $0x6FFFF;
	_ =	strace $0x90000046  }
0xb5: {  	s29 =	simm.s32 $0x9;
	_ =	strace $0x80000048  }
0xb6: {  	_ =	swait.ge [sflag:s29], $0x1  }
0xb7: {  	[sflag:s29] =	ssyncadd.s32 $0xFFFFFFFF  }
0xb8: {  	_ =	strace $0x90000048  }
0xb9: {  	_ =	sfence  }
0xba: {  	s30 =	sld [smem:$0x0];
	_ =	sdelay $0x2  }
0xbb: {  	s31 =	sshll.u32 s1, $0xD;
	s1 =	sshrl.u32 s1, $0x2  }
0xbc: {  	s3 =	sand.u32 $0x4000, s31;
	s1 =	sadd.s32 s1, s30  }
0xbd: {  	s0 =	sor.u32 s3, s0;
	s1 =	sshll.u32 s1, $0x11  }
0xbe: {  	s0 =	sor.u32 s1, s0  }
0xbf: {  	s0 =	sadd.s32 $0x8F2B, s0  }
0xc0: {  	[sflag:s0] =	ssyncadd.remote.s32 $0x1  }
0xc1: {  	_ =	sfence.sel $0xFFFF  }
0xc2: {  	[dreg:$0x0] =	wrdreg $0xFFFFFFFF;
	(pc) =	sbr.abs _section_cstart, $3  }
0xc3: {  	[dreg:$0x1] =	wrdreg $0xFFFFFFFF  }
0xc4: {  	_ =	task.clear_ibuf [dreg:s9], $0x2FFFF;
	_ =	strace $0x9FFFFFFF  }
0xc5: {  	(tm) =	ssettm $0x7FFFFFFF  }
tec
execute0_lowered:
.L_overlay_start_1:
0x0: {  	(tag) =	ssettag $0x1  }
0x1: {  	s1 =	rddreg [dreg:$0x0]  }
0x2: {  	s2 =	rddreg [dreg:$0x1]  }
0x3: {  	s3 =	rddreg [dreg:$0x2]  }
0x4: {  	s0 =	srdreg.scid;
	s4 =	simm.s32 $0x0;
	s6 =	stileid.u32  }
0x5: {  	s8 =	simm.s32 $0x1;
	s10 =	simm.s32 $0x9;
	s9 =	simm.s32 $0xD000  }
0x6: {  	s29 =	simm.s32 $0xE000;
	s28 =	simm.s32 $0xC;
	s0 =	sand.u32 $0x1, s0  }
0x7: {  	[smem:$0x7FF] =	sst s4;
	s6 =	sshll.u32 s6, $0xF;
	s19 =	sadd.s32 $0x40, s3  }
0x8: {  	s14 =	ssub.s32 $0x2, s0;
	s0 =	sshll.u32 s0, $0xE;
	_ =	strace $0x80000047  }
0x9: {  	[dreg:$0xa] =	wrdreg s19;
	s5 =	sshrl.u32 s14, $0x1;
	s15 =	sor.u32 s0, s6  }
0xa: {  	s19 =	simm.s32 $0xB000;
	s4 =	ssub.s32 s14, s5;
	s0 =	sadd.s32 s2, s15  }
0xb: {  	s6 =	sadd.s32 s1, s15;
	s17 =	sor.u32 $0x400, s15;
	[dreg:$0x5] =	wrdreg s0  }
0xc: {  	s16 =	sor.u32 $0x40, s15;
	s18 =	sor.u32 $0x440, s15;
	[dreg:$0x8] =	wrdreg s17  }
0xd: {  	s20 =	sor.u32 $0x800, s15;
	s21 =	sor.u32 $0x840, s15;
	[dreg:$0x9] =	wrdreg s18  }
0xe: {  	s5 =	simm.s32 $0x3;
	s7 =	sadd.s32 s1, s16;
	[dreg:$0xb] =	wrdreg s20  }
0xf: {  	s0 =	sadd.s32 s2, s16;
	s16 =	smov.u32 s15;
	[dreg:$0xc] =	wrdreg s21  }
0x10: {  	s22 =	smax.u32 s4, $0x1;
	s23 =	sadd.s32 $0x80000, s6;
	[dreg:$0x4] =	wrdreg s6  }
0x11: {  	s24 =	sadd.s32 $0x100000, s6;
	s25 =	sadd.s32 $0x180000, s6;
	[dreg:$0x7] =	wrdreg s0  }
0x12: {  	s17 =	simm.s32 $0x9000;
	s18 =	simm.s32 $0xA000;
	[dreg:$0xd] =	wrdreg s22  }
0x13: {  	s21 =	simm.s32 $0x2;
	s20 =	simm.s32 $0xF000;
	[dreg:$0xe] =	wrdreg s23  }
0x14: {  	s15 =	simm.s32 $0x6;
	s6 =	simm.s32 $0x0;
	[dreg:$0xf] =	wrdreg s24  }
.Ltmp0:
0x15: {  	[dreg:$0x10] =	wrdreg s25;
	s26 =	sadd.s32 $0x80000, s7;
	(pc) =	sbr.rel .LBB2_1-.Ltmp0, $4  }
0x16: {  	s30 =	sadd.s32 $0x100000, s7;
	[dreg:$0x6] =	wrdreg s7;
	s31 =	sadd.s32 $0x180000, s7  }
0x17: {  	s23 =	simm.s32 $0x200;
	s24 =	simm.s32 $0x400;
	[dreg:$0x11] =	wrdreg s26  }
0x18: {  	s22 =	simm.s32 $0xA;
	s7 =	simm.s32 $0xC000;
	[dreg:$0x12] =	wrdreg s30  }
0x19: {  	s25 =	simm.s32 $0xB;
	[dreg:$0x13] =	wrdreg s31;
	s26 =	simm.s32 $0x4  }
.LBB2_68:
0x1a: {  	s0 =	simm.s32 $0x5  }
0x1b: {  	_ =	swait.ge [sflag:s0], $0x4000  }
0x1c: {  	[sflag:s0] =	ssyncset.done $0x0  }
0x1d: {  	[sflag:s0] =	ssyncadd.s32 $0xFFFFC000  }
0x1e: {  	_ =	swait.ge [sflag:s15], $0x4000  }
0x1f: {  	[sflag:s15] =	ssyncset.done $0x0  }
0x20: {  	s30 =	simm.s32 $0x7;
	[sflag:s15] =	ssyncadd.s32 $0xFFFFC000  }
0x21: {  	_ =	swait.ge [sflag:s30], $0x4000  }
0x22: {  	[sflag:s30] =	ssyncset.done $0x0  }
0x23: {  	s4 =	simm.s32 $0x8;
	[sflag:s30] =	ssyncadd.s32 $0xFFFFC000  }
0x24: {  	_ =	swait.ge [sflag:s4], $0x4000  }
0x25: {  	s6 =	rddreg [dreg:$0x14]  }
0x26: {  	s31 =	rddreg [dreg:$0xd];
	s6 =	sadd.s32 $0x1, s6  }
0x27: {  	p0 =	sne.s32 s6, s31  }
.Ltmp1:
0x28: {  	_ = 	snop;
	(pc) =	sbr.rel @!p0 .LBB2_69-.Ltmp1, $3  }
0x29: {  	_ =	sdelay $0x1  }
0x2a: {  	[sflag:s4] =	ssyncset.done $0x0  }
0x2b: {  	[sflag:s4] =	ssyncadd.s32 $0xFFFFC000  }
.LBB2_1:
0x2c: {  	[dreg:$0x14] =	wrdreg s6  }
0x2d: {  	s0 =	simm.s32 $0x0;
	s4 =	rddreg [dreg:$0x4]  }
0x2e: {  	[tilespmem:s0], [sflag:$0x1] =	stream.strided.gather [hbm4b:s4+s23], $0x1000, s24, s23, $0x38;
	[tilespmem:$0x14000] =	vst v63  }
0x2f: {  	s30 =	rddreg [dreg:$0xe];
	s31 =	simm.s32 $0x1000  }
0x30: {  	[tilespmem:s31], [sflag:$0x1] =	stream.strided.gather [hbm4b:s30+s23], $0x1000, s24, s23, $0x38;
	[tilespmem:$0x14000] =	vst v63  }
0x31: {  	s6 =	simm.s32 $0x2000;
	s4 =	rddreg [dreg:$0xf]  }
0x32: {  	[tilespmem:s6], [sflag:$0x1] =	stream.strided.gather [hbm4b:s4+s23], $0x1000, s24, s23, $0x38;
	[tilespmem:$0x14000] =	vst v63  }
0x33: {  	s11 =	rddreg [dreg:$0x10];
	s12 =	simm.s32 $0x3000  }
0x34: {  	[tilespmem:s12], [sflag:$0x1] =	stream.strided.gather [hbm4b:s11+s23], $0x1000, s24, s23, $0x38;
	[tilespmem:$0x14000] =	vst v63  }
0x35: {  	s13 =	rddreg [dreg:$0x5];
	s14 =	simm.s32 $0x10000  }
0x36: {  	[tilespmem:s14], [sflag:$0x9] =	stream.strided.gather [hbm4b:s13+s23], $0x1000, s24, s23, $0x38;
	[tilespmem:$0x14000] =	vst v63  }
0x37: {  	s30 =	rddreg [dreg:$0x6];
	s31 =	simm.s32 $0x4000  }
0x38: {  	[tilespmem:s31], [sflag:$0x2] =	stream.strided.gather [hbm4b:s30+s23], $0x1000, s24, s23, $0x38;
	[tilespmem:$0x14000] =	vst v63  }
0x39: {  	s4 =	rddreg [dreg:$0x11];
	s6 =	simm.s32 $0x5000  }
0x3a: {  	[tilespmem:s6], [sflag:$0x2] =	stream.strided.gather [hbm4b:s4+s23], $0x1000, s24, s23, $0x38;
	[tilespmem:$0x14000] =	vst v63  }
0x3b: {  	s11 =	rddreg [dreg:$0x12];
	s12 =	simm.s32 $0x6000  }
0x3c: {  	[tilespmem:s12], [sflag:$0x2] =	stream.strided.gather [hbm4b:s11+s23], $0x1000, s24, s23, $0x38;
	[tilespmem:$0x14000] =	vst v63  }
0x3d: {  	s13 =	rddreg [dreg:$0x13];
	s14 =	simm.s32 $0x7000  }
0x3e: {  	[tilespmem:s14], [sflag:$0x2] =	stream.strided.gather [hbm4b:s13+s23], $0x1000, s24, s23, $0x38;
	[tilespmem:$0x14000] =	vst v63  }
0x3f: {  	s30 =	rddreg [dreg:$0x7];
	s31 =	simm.s32 $0x11000;
	s11 =	simm.s32 $0x0  }
0x40: {  	[tilespmem:s31], [sflag:$0xA] =	stream.strided.gather [hbm4b:s30+s23], $0x1000, s24, s23, $0x38;
	[tilespmem:$0x14000] =	vst v63  }
.LBB2_2:
0x41: {  	_ =	swait.ge [sflag:s8], $0x4000  }
0x42: {  	[sflag:s8] =	ssyncset.done $0x0  }
0x43: {  	[sflag:s8] =	ssyncadd.s32 $0xFFFFC000  }
0x44: {  	_ =	swait.ge [sflag:s10], $0x1000  }
0x45: {  	[sflag:s10] =	ssyncset.done $0x0  }
0x46: {  	s6 =	simm.s32 $0x0;
	s12 =	simm.s32 $0x0;
	[sflag:s10] =	ssyncadd.s32 $0xFFFFF000  }
.LBB2_3:
0x47: {  	s13 =	sshra.s32 s6, $0x2  }
0x48: {  	v0 =	vld [tilespmem:s13+$0x10270]  }
0x49: {  	v1 =	vld [tilespmem:s13+$0x10000]  }
0x4a: {  	v2 =	vld [tilespmem:s13+$0x10010]  }
0x4b: {  	v3 =	vld [tilespmem:s13+$0x10020]  }
0x4c: {  	v4 =	vld [tilespmem:s13+$0x10030]  }
0x4d: {  	v5 =	vld [tilespmem:s13+$0x10040]  }
0x4e: {  	v6 =	vld [tilespmem:s13+$0x10050]  }
0x4f: {  	v7 =	vld [tilespmem:s13+$0x10060]  }
0x50: {  	v8 =	vld [tilespmem:s13+$0x10070]  }
0x51: {  	v9 =	vld [tilespmem:s13+$0x10200]  }
0x52: {  	v10 =	vld [tilespmem:s13+$0x10210]  }
0x53: {  	v11 =	vld [tilespmem:s13+$0x10220]  }
0x54: {  	v12 =	vld [tilespmem:s13+$0x10230]  }
0x55: {  	v13 =	vld [tilespmem:s13+$0x10240]  }
0x56: {  	v14 =	vld [tilespmem:s13+$0x10250]  }
0x57: {  	[tilespmem:s13+$0x270] =	vst.add.f32.msk $0xffff, v0  }
0x58: {  	v0 =	vld [tilespmem:s13+$0x10260]  }
0x59: {  	[tilespmem:s13+$0x0] =	vst.add.f32.msk $0xffff, v1  }
0x5a: {  	[tilespmem:s13+$0x10] =	vst.add.f32.msk $0xffff, v2  }
0x5b: {  	[tilespmem:s13+$0x20] =	vst.add.f32.msk $0xffff, v3  }
0x5c: {  	[tilespmem:s13+$0x30] =	vst.add.f32.msk $0xffff, v4  }
0x5d: {  	[tilespmem:s13+$0x40] =	vst.add.f32.msk $0xffff, v5  }
0x5e: {  	[tilespmem:s13+$0x50] =	vst.add.f32.msk $0xffff, v6  }
0x5f: {  	[tilespmem:s13+$0x60] =	vst.add.f32.msk $0xffff, v7  }
0x60: {  	[tilespmem:s13+$0x70] =	vst.add.f32.msk $0xffff, v8  }
0x61: {  	[tilespmem:s13+$0x200] =	vst.add.f32.msk $0xffff, v9  }
0x62: {  	[tilespmem:s13+$0x210] =	vst.add.f32.msk $0xffff, v10  }
0x63: {  	[tilespmem:s13+$0x220] =	vst.add.f32.msk $0xffff, v11  }
0x64: {  	[tilespmem:s13+$0x230] =	vst.add.f32.msk $0xffff, v12  }
0x65: {  	[tilespmem:s13+$0x240] =	vst.add.f32.msk $0xffff, v13  }
0x66: {  	s14 =	simm.s32 $0x0;
	s0 =	sadd.s32 $0x1000, s6;
	[tilespmem:s13+$0x250] =	vst.add.f32.msk $0xffff, v14  }
.LBB2_4:
0x67: {  	s14 =	sadd.s32 $0x10, s14;
	[tilespmem:s13+$0x260] =	vst.add.f32.msk $0xffff, v0;
	s13 =	sshra.s32 s0, $0x2  }
0x68: {  	v0 =	vld [tilespmem:s13+$0x10270];
	p0 =	slt.u32 s14, $0x30  }
0x69: {  	v1 =	vld [tilespmem:s13+$0x10000]  }
0x6a: {  	v2 =	vld [tilespmem:s13+$0x10010]  }
0x6b: {  	v3 =	vld [tilespmem:s13+$0x10020]  }
0x6c: {  	v4 =	vld [tilespmem:s13+$0x10030]  }
0x6d: {  	[tilespmem:s13+$0x270] =	vst.add.f32.msk $0xffff, v0  }
0x6e: {  	v5 =	vld [tilespmem:s13+$0x10040]  }
0x6f: {  	v6 =	vld [tilespmem:s13+$0x10050]  }
0x70: {  	v7 =	vld [tilespmem:s13+$0x10060]  }
0x71: {  	v8 =	vld [tilespmem:s13+$0x10070]  }
0x72: {  	v9 =	vld [tilespmem:s13+$0x10200]  }
0x73: {  	v10 =	vld [tilespmem:s13+$0x10210]  }
0x74: {  	v11 =	vld [tilespmem:s13+$0x10220]  }
0x75: {  	v12 =	vld [tilespmem:s13+$0x10230]  }
0x76: {  	v13 =	vld [tilespmem:s13+$0x10240]  }
0x77: {  	v14 =	vld [tilespmem:s13+$0x10250]  }
0x78: {  	v0 =	vld [tilespmem:s13+$0x10260]  }
0x79: {  	[tilespmem:s13+$0x0] =	vst.add.f32.msk $0xffff, v1  }
0x7a: {  	[tilespmem:s13+$0x10] =	vst.add.f32.msk $0xffff, v2  }
0x7b: {  	[tilespmem:s13+$0x20] =	vst.add.f32.msk $0xffff, v3  }
0x7c: {  	[tilespmem:s13+$0x30] =	vst.add.f32.msk $0xffff, v4  }
0x7d: {  	[tilespmem:s13+$0x40] =	vst.add.f32.msk $0xffff, v5  }
0x7e: {  	[tilespmem:s13+$0x50] =	vst.add.f32.msk $0xffff, v6  }
0x7f: {  	[tilespmem:s13+$0x60] =	vst.add.f32.msk $0xffff, v7  }
0x80: {  	[tilespmem:s13+$0x70] =	vst.add.f32.msk $0xffff, v8  }
0x81: {  	[tilespmem:s13+$0x200] =	vst.add.f32.msk $0xffff, v9  }
.Ltmp2:
0x82: {  	[tilespmem:s13+$0x210] =	vst.add.f32.msk $0xffff, v10;
	(pc) =	sbr.rel @p0 .LBB2_4-.Ltmp2, $4  }
0x83: {  	[tilespmem:s13+$0x220] =	vst.add.f32.msk $0xffff, v11  }
0x84: {  	[tilespmem:s13+$0x230] =	vst.add.f32.msk $0xffff, v12  }
0x85: {  	[tilespmem:s13+$0x240] =	vst.add.f32.msk $0xffff, v13  }
0x86: {  	s0 =	sadd.s32 $0x1000, s0;
	[tilespmem:s13+$0x250] =	vst.add.f32.msk $0xffff, v14  }
0x87: {  	s12 =	sadd.s32 $0x1, s12  }
0x88: {  	p0 =	sne.s32 s12, $0x4  }
.Ltmp3:
0x89: {  	_ = 	snop;
	(pc) =	sbr.rel @p0 .LBB2_3-.Ltmp3, $2  }
0x8a: {  	_ =	sdelay $0x2  }
0x8b: {  	[tilespmem:s13+$0x260] =	vst.add.f32.msk $0xffff, v0;
	s6 =	sadd.s32 $0x200, s6  }
0x8c: {  	s6 =	simm.s32 $0x0;
	s12 =	simm.s32 $0x0  }
.LBB2_7:
0x8d: {  	s13 =	sshra.s32 s6, $0x2  }
0x8e: {  	v0 =	vld [tilespmem:s13+$0x10270]  }
0x8f: {  	v1 =	vld [tilespmem:s13+$0x10000]  }
0x90: {  	v2 =	vld [tilespmem:s13+$0x10010]  }
0x91: {  	v3 =	vld [tilespmem:s13+$0x10020]  }
0x92: {  	v4 =	vld [tilespmem:s13+$0x10030]  }
0x93: {  	v5 =	vld [tilespmem:s13+$0x10040]  }
0x94: {  	v6 =	vld [tilespmem:s13+$0x10050]  }
0x95: {  	v7 =	vld [tilespmem:s13+$0x10060]  }
0x96: {  	v8 =	vld [tilespmem:s13+$0x10070]  }
0x97: {  	v9 =	vld [tilespmem:s13+$0x10200]  }
0x98: {  	v10 =	vld [tilespmem:s13+$0x10210]  }
0x99: {  	v11 =	vld [tilespmem:s13+$0x10220]  }
0x9a: {  	v12 =	vld [tilespmem:s13+$0x10230]  }
0x9b: {  	v13 =	vld [tilespmem:s13+$0x10240]  }
0x9c: {  	v14 =	vld [tilespmem:s13+$0x10250]  }
0x9d: {  	[tilespmem:s13+$0x1270] =	vst.add.f32.msk $0xffff, v0  }
0x9e: {  	v0 =	vld [tilespmem:s13+$0x10260]  }
0x9f: {  	[tilespmem:s13+$0x1000] =	vst.add.f32.msk $0xffff, v1  }
0xa0: {  	[tilespmem:s13+$0x1010] =	vst.add.f32.msk $0xffff, v2  }
0xa1: {  	[tilespmem:s13+$0x1020] =	vst.add.f32.msk $0xffff, v3  }
0xa2: {  	[tilespmem:s13+$0x1030] =	vst.add.f32.msk $0xffff, v4  }
0xa3: {  	[tilespmem:s13+$0x1040] =	vst.add.f32.msk $0xffff, v5  }
0xa4: {  	[tilespmem:s13+$0x1050] =	vst.add.f32.msk $0xffff, v6  }
0xa5: {  	[tilespmem:s13+$0x1060] =	vst.add.f32.msk $0xffff, v7  }
0xa6: {  	[tilespmem:s13+$0x1070] =	vst.add.f32.msk $0xffff, v8  }
0xa7: {  	[tilespmem:s13+$0x1200] =	vst.add.f32.msk $0xffff, v9  }
0xa8: {  	[tilespmem:s13+$0x1210] =	vst.add.f32.msk $0xffff, v10  }
0xa9: {  	[tilespmem:s13+$0x1220] =	vst.add.f32.msk $0xffff, v11  }
0xaa: {  	[tilespmem:s13+$0x1230] =	vst.add.f32.msk $0xffff, v12  }
0xab: {  	[tilespmem:s13+$0x1240] =	vst.add.f32.msk $0xffff, v13  }
0xac: {  	s14 =	simm.s32 $0x0;
	s0 =	sadd.s32 $0x1000, s6;
	[tilespmem:s13+$0x1250] =	vst.add.f32.msk $0xffff, v14  }
.LBB2_8:
0xad: {  	s14 =	sadd.s32 $0x10, s14;
	[tilespmem:s13+$0x1260] =	vst.add.f32.msk $0xffff, v0;
	s13 =	sshra.s32 s0, $0x2  }
0xae: {  	v0 =	vld [tilespmem:s13+$0x10270];
	p0 =	slt.u32 s14, $0x30  }
0xaf: {  	v1 =	vld [tilespmem:s13+$0x10000]  }
0xb0: {  	v2 =	vld [tilespmem:s13+$0x10010]  }
0xb1: {  	v3 =	vld [tilespmem:s13+$0x10020]  }
0xb2: {  	v4 =	vld [tilespmem:s13+$0x10030]  }
0xb3: {  	[tilespmem:s13+$0x1270] =	vst.add.f32.msk $0xffff, v0  }
0xb4: {  	v5 =	vld [tilespmem:s13+$0x10040]  }
0xb5: {  	v6 =	vld [tilespmem:s13+$0x10050]  }
0xb6: {  	v7 =	vld [tilespmem:s13+$0x10060]  }
0xb7: {  	v8 =	vld [tilespmem:s13+$0x10070]  }
0xb8: {  	v9 =	vld [tilespmem:s13+$0x10200]  }
0xb9: {  	v10 =	vld [tilespmem:s13+$0x10210]  }
0xba: {  	v11 =	vld [tilespmem:s13+$0x10220]  }
0xbb: {  	v12 =	vld [tilespmem:s13+$0x10230]  }
0xbc: {  	v13 =	vld [tilespmem:s13+$0x10240]  }
0xbd: {  	v14 =	vld [tilespmem:s13+$0x10250]  }
0xbe: {  	v0 =	vld [tilespmem:s13+$0x10260]  }
0xbf: {  	[tilespmem:s13+$0x1000] =	vst.add.f32.msk $0xffff, v1  }
0xc0: {  	[tilespmem:s13+$0x1010] =	vst.add.f32.msk $0xffff, v2  }
0xc1: {  	[tilespmem:s13+$0x1020] =	vst.add.f32.msk $0xffff, v3  }
0xc2: {  	[tilespmem:s13+$0x1030] =	vst.add.f32.msk $0xffff, v4  }
0xc3: {  	[tilespmem:s13+$0x1040] =	vst.add.f32.msk $0xffff, v5  }
0xc4: {  	[tilespmem:s13+$0x1050] =	vst.add.f32.msk $0xffff, v6  }
0xc5: {  	[tilespmem:s13+$0x1060] =	vst.add.f32.msk $0xffff, v7  }
0xc6: {  	[tilespmem:s13+$0x1070] =	vst.add.f32.msk $0xffff, v8  }
0xc7: {  	[tilespmem:s13+$0x1200] =	vst.add.f32.msk $0xffff, v9  }
.Ltmp4:
0xc8: {  	[tilespmem:s13+$0x1210] =	vst.add.f32.msk $0xffff, v10;
	(pc) =	sbr.rel @p0 .LBB2_8-.Ltmp4, $4  }
0xc9: {  	[tilespmem:s13+$0x1220] =	vst.add.f32.msk $0xffff, v11  }
0xca: {  	[tilespmem:s13+$0x1230] =	vst.add.f32.msk $0xffff, v12  }
0xcb: {  	[tilespmem:s13+$0x1240] =	vst.add.f32.msk $0xffff, v13  }
0xcc: {  	s0 =	sadd.s32 $0x1000, s0;
	[tilespmem:s13+$0x1250] =	vst.add.f32.msk $0xffff, v14  }
0xcd: {  	s12 =	sadd.s32 $0x1, s12  }
0xce: {  	p0 =	sne.s32 s12, $0x4  }
.Ltmp5:
0xcf: {  	_ = 	snop;
	(pc) =	sbr.rel @p0 .LBB2_7-.Ltmp5, $2  }
0xd0: {  	_ =	sdelay $0x2  }
0xd1: {  	[tilespmem:s13+$0x1260] =	vst.add.f32.msk $0xffff, v0;
	s6 =	sadd.s32 $0x200, s6  }
0xd2: {  	s6 =	simm.s32 $0x0;
	s12 =	simm.s32 $0x0  }
.LBB2_11:
0xd3: {  	s13 =	sshra.s32 s6, $0x2  }
0xd4: {  	v0 =	vld [tilespmem:s13+$0x10270]  }
0xd5: {  	v1 =	vld [tilespmem:s13+$0x10000]  }
0xd6: {  	v2 =	vld [tilespmem:s13+$0x10010]  }
0xd7: {  	v3 =	vld [tilespmem:s13+$0x10020]  }
0xd8: {  	v4 =	vld [tilespmem:s13+$0x10030]  }
0xd9: {  	v5 =	vld [tilespmem:s13+$0x10040]  }
0xda: {  	v6 =	vld [tilespmem:s13+$0x10050]  }
0xdb: {  	v7 =	vld [tilespmem:s13+$0x10060]  }
0xdc: {  	v8 =	vld [tilespmem:s13+$0x10070]  }
0xdd: {  	v9 =	vld [tilespmem:s13+$0x10200]  }
0xde: {  	v10 =	vld [tilespmem:s13+$0x10210]  }
0xdf: {  	v11 =	vld [tilespmem:s13+$0x10220]  }
0xe0: {  	v12 =	vld [tilespmem:s13+$0x10230]  }
0xe1: {  	v13 =	vld [tilespmem:s13+$0x10240]  }
0xe2: {  	v14 =	vld [tilespmem:s13+$0x10250]  }
0xe3: {  	[tilespmem:s13+$0x2270] =	vst.add.f32.msk $0xffff, v0  }
0xe4: {  	v0 =	vld [tilespmem:s13+$0x10260]  }
0xe5: {  	[tilespmem:s13+$0x2000] =	vst.add.f32.msk $0xffff, v1  }
0xe6: {  	[tilespmem:s13+$0x2010] =	vst.add.f32.msk $0xffff, v2  }
0xe7: {  	[tilespmem:s13+$0x2020] =	vst.add.f32.msk $0xffff, v3  }
0xe8: {  	[tilespmem:s13+$0x2030] =	vst.add.f32.msk $0xffff, v4  }
0xe9: {  	[tilespmem:s13+$0x2040] =	vst.add.f32.msk $0xffff, v5  }
0xea: {  	[tilespmem:s13+$0x2050] =	vst.add.f32.msk $0xffff, v6  }
0xeb: {  	[tilespmem:s13+$0x2060] =	vst.add.f32.msk $0xffff, v7  }
0xec: {  	[tilespmem:s13+$0x2070] =	vst.add.f32.msk $0xffff, v8  }
0xed: {  	[tilespmem:s13+$0x2200] =	vst.add.f32.msk $0xffff, v9  }
0xee: {  	[tilespmem:s13+$0x2210] =	vst.add.f32.msk $0xffff, v10  }
0xef: {  	[tilespmem:s13+$0x2220] =	vst.add.f32.msk $0xffff, v11  }
0xf0: {  	[tilespmem:s13+$0x2230] =	vst.add.f32.msk $0xffff, v12  }
0xf1: {  	[tilespmem:s13+$0x2240] =	vst.add.f32.msk $0xffff, v13  }
0xf2: {  	s14 =	simm.s32 $0x0;
	s0 =	sadd.s32 $0x1000, s6;
	[tilespmem:s13+$0x2250] =	vst.add.f32.msk $0xffff, v14  }
.LBB2_12:
0xf3: {  	s14 =	sadd.s32 $0x10, s14;
	[tilespmem:s13+$0x2260] =	vst.add.f32.msk $0xffff, v0;
	s13 =	sshra.s32 s0, $0x2  }
0xf4: {  	v0 =	vld [tilespmem:s13+$0x10270];
	p0 =	slt.u32 s14, $0x30  }
0xf5: {  	v1 =	vld [tilespmem:s13+$0x10000]  }
0xf6: {  	v2 =	vld [tilespmem:s13+$0x10010]  }
0xf7: {  	v3 =	vld [tilespmem:s13+$0x10020]  }
0xf8: {  	v4 =	vld [tilespmem:s13+$0x10030]  }
0xf9: {  	[tilespmem:s13+$0x2270] =	vst.add.f32.msk $0xffff, v0  }
0xfa: {  	v5 =	vld [tilespmem:s13+$0x10040]  }
0xfb: {  	v6 =	vld [tilespmem:s13+$0x10050]  }
0xfc: {  	v7 =	vld [tilespmem:s13+$0x10060]  }
0xfd: {  	v8 =	vld [tilespmem:s13+$0x10070]  }
0xfe: {  	v9 =	vld [tilespmem:s13+$0x10200]  }
0xff: {  	v10 =	vld [tilespmem:s13+$0x10210]  }
0x100: {  	v11 =	vld [tilespmem:s13+$0x10220]  }
0x101: {  	v12 =	vld [tilespmem:s13+$0x10230]  }
0x102: {  	v13 =	vld [tilespmem:s13+$0x10240]  }
0x103: {  	v14 =	vld [tilespmem:s13+$0x10250]  }
0x104: {  	v0 =	vld [tilespmem:s13+$0x10260]  }
0x105: {  	[tilespmem:s13+$0x2000] =	vst.add.f32.msk $0xffff, v1  }
0x106: {  	[tilespmem:s13+$0x2010] =	vst.add.f32.msk $0xffff, v2  }
0x107: {  	[tilespmem:s13+$0x2020] =	vst.add.f32.msk $0xffff, v3  }
0x108: {  	[tilespmem:s13+$0x2030] =	vst.add.f32.msk $0xffff, v4  }
0x109: {  	[tilespmem:s13+$0x2040] =	vst.add.f32.msk $0xffff, v5  }
0x10a: {  	[tilespmem:s13+$0x2050] =	vst.add.f32.msk $0xffff, v6  }
0x10b: {  	[tilespmem:s13+$0x2060] =	vst.add.f32.msk $0xffff, v7  }
0x10c: {  	[tilespmem:s13+$0x2070] =	vst.add.f32.msk $0xffff, v8  }
0x10d: {  	[tilespmem:s13+$0x2200] =	vst.add.f32.msk $0xffff, v9  }
.Ltmp6:
0x10e: {  	[tilespmem:s13+$0x2210] =	vst.add.f32.msk $0xffff, v10;
	(pc) =	sbr.rel @p0 .LBB2_12-.Ltmp6, $4  }
0x10f: {  	[tilespmem:s13+$0x2220] =	vst.add.f32.msk $0xffff, v11  }
0x110: {  	[tilespmem:s13+$0x2230] =	vst.add.f32.msk $0xffff, v12  }
0x111: {  	[tilespmem:s13+$0x2240] =	vst.add.f32.msk $0xffff, v13  }
0x112: {  	s0 =	sadd.s32 $0x1000, s0;
	[tilespmem:s13+$0x2250] =	vst.add.f32.msk $0xffff, v14  }
0x113: {  	s12 =	sadd.s32 $0x1, s12  }
0x114: {  	p0 =	sne.s32 s12, $0x4  }
.Ltmp7:
0x115: {  	_ = 	snop;
	(pc) =	sbr.rel @p0 .LBB2_11-.Ltmp7, $2  }
0x116: {  	_ =	sdelay $0x2  }
0x117: {  	[tilespmem:s13+$0x2260] =	vst.add.f32.msk $0xffff, v0;
	s6 =	sadd.s32 $0x200, s6  }
0x118: {  	s12 =	simm.s32 $0x0;
	s6 =	simm.s32 $0x0  }
.LBB2_15:
0x119: {  	s13 =	sshra.s32 s12, $0x2  }
0x11a: {  	v0 =	vld [tilespmem:s13+$0x10270]  }
0x11b: {  	v1 =	vld [tilespmem:s13+$0x10000]  }
0x11c: {  	v2 =	vld [tilespmem:s13+$0x10010]  }
0x11d: {  	v3 =	vld [tilespmem:s13+$0x10020]  }
0x11e: {  	v4 =	vld [tilespmem:s13+$0x10030]  }
0x11f: {  	v5 =	vld [tilespmem:s13+$0x10040]  }
0x120: {  	v6 =	vld [tilespmem:s13+$0x10050]  }
0x121: {  	v7 =	vld [tilespmem:s13+$0x10060]  }
0x122: {  	v8 =	vld [tilespmem:s13+$0x10070]  }
0x123: {  	v9 =	vld [tilespmem:s13+$0x10200]  }
0x124: {  	v10 =	vld [tilespmem:s13+$0x10210]  }
0x125: {  	v11 =	vld [tilespmem:s13+$0x10220]  }
0x126: {  	v12 =	vld [tilespmem:s13+$0x10230]  }
0x127: {  	v13 =	vld [tilespmem:s13+$0x10240]  }
0x128: {  	v14 =	vld [tilespmem:s13+$0x10250]  }
0x129: {  	[tilespmem:s13+$0x3270] =	vst.add.f32.msk $0xffff, v0  }
0x12a: {  	v0 =	vld [tilespmem:s13+$0x10260]  }
0x12b: {  	[tilespmem:s13+$0x3000] =	vst.add.f32.msk $0xffff, v1  }
0x12c: {  	[tilespmem:s13+$0x3010] =	vst.add.f32.msk $0xffff, v2  }
0x12d: {  	[tilespmem:s13+$0x3020] =	vst.add.f32.msk $0xffff, v3  }
0x12e: {  	[tilespmem:s13+$0x3030] =	vst.add.f32.msk $0xffff, v4  }
0x12f: {  	[tilespmem:s13+$0x3040] =	vst.add.f32.msk $0xffff, v5  }
0x130: {  	[tilespmem:s13+$0x3050] =	vst.add.f32.msk $0xffff, v6  }
0x131: {  	[tilespmem:s13+$0x3060] =	vst.add.f32.msk $0xffff, v7  }
0x132: {  	[tilespmem:s13+$0x3070] =	vst.add.f32.msk $0xffff, v8  }
0x133: {  	[tilespmem:s13+$0x3200] =	vst.add.f32.msk $0xffff, v9  }
0x134: {  	[tilespmem:s13+$0x3210] =	vst.add.f32.msk $0xffff, v10  }
0x135: {  	[tilespmem:s13+$0x3220] =	vst.add.f32.msk $0xffff, v11  }
0x136: {  	[tilespmem:s13+$0x3230] =	vst.add.f32.msk $0xffff, v12  }
0x137: {  	[tilespmem:s13+$0x3240] =	vst.add.f32.msk $0xffff, v13  }
0x138: {  	s14 =	simm.s32 $0x0;
	s0 =	sadd.s32 $0x1000, s12;
	[tilespmem:s13+$0x3250] =	vst.add.f32.msk $0xffff, v14  }
.LBB2_16:
0x139: {  	s14 =	sadd.s32 $0x10, s14;
	[tilespmem:s13+$0x3260] =	vst.add.f32.msk $0xffff, v0;
	s13 =	sshra.s32 s0, $0x2  }
0x13a: {  	v0 =	vld [tilespmem:s13+$0x10270];
	p0 =	slt.u32 s14, $0x30  }
0x13b: {  	v1 =	vld [tilespmem:s13+$0x10000]  }
0x13c: {  	v2 =	vld [tilespmem:s13+$0x10010]  }
0x13d: {  	v3 =	vld [tilespmem:s13+$0x10020]  }
0x13e: {  	v4 =	vld [tilespmem:s13+$0x10030]  }
0x13f: {  	[tilespmem:s13+$0x3270] =	vst.add.f32.msk $0xffff, v0  }
0x140: {  	v5 =	vld [tilespmem:s13+$0x10040]  }
0x141: {  	v6 =	vld [tilespmem:s13+$0x10050]  }
0x142: {  	v7 =	vld [tilespmem:s13+$0x10060]  }
0x143: {  	v8 =	vld [tilespmem:s13+$0x10070]  }
0x144: {  	v9 =	vld [tilespmem:s13+$0x10200]  }
0x145: {  	v10 =	vld [tilespmem:s13+$0x10210]  }
0x146: {  	v11 =	vld [tilespmem:s13+$0x10220]  }
0x147: {  	v12 =	vld [tilespmem:s13+$0x10230]  }
0x148: {  	v13 =	vld [tilespmem:s13+$0x10240]  }
0x149: {  	v14 =	vld [tilespmem:s13+$0x10250]  }
0x14a: {  	v0 =	vld [tilespmem:s13+$0x10260]  }
0x14b: {  	[tilespmem:s13+$0x3000] =	vst.add.f32.msk $0xffff, v1  }
0x14c: {  	[tilespmem:s13+$0x3010] =	vst.add.f32.msk $0xffff, v2  }
0x14d: {  	[tilespmem:s13+$0x3020] =	vst.add.f32.msk $0xffff, v3  }
0x14e: {  	[tilespmem:s13+$0x3030] =	vst.add.f32.msk $0xffff, v4  }
0x14f: {  	[tilespmem:s13+$0x3040] =	vst.add.f32.msk $0xffff, v5  }
0x150: {  	[tilespmem:s13+$0x3050] =	vst.add.f32.msk $0xffff, v6  }
0x151: {  	[tilespmem:s13+$0x3060] =	vst.add.f32.msk $0xffff, v7  }
0x152: {  	[tilespmem:s13+$0x3070] =	vst.add.f32.msk $0xffff, v8  }
0x153: {  	[tilespmem:s13+$0x3200] =	vst.add.f32.msk $0xffff, v9  }
.Ltmp8:
0x154: {  	[tilespmem:s13+$0x3210] =	vst.add.f32.msk $0xffff, v10;
	(pc) =	sbr.rel @p0 .LBB2_16-.Ltmp8, $4  }
0x155: {  	[tilespmem:s13+$0x3220] =	vst.add.f32.msk $0xffff, v11  }
0x156: {  	[tilespmem:s13+$0x3230] =	vst.add.f32.msk $0xffff, v12  }
0x157: {  	[tilespmem:s13+$0x3240] =	vst.add.f32.msk $0xffff, v13  }
0x158: {  	s0 =	sadd.s32 $0x1000, s0;
	[tilespmem:s13+$0x3250] =	vst.add.f32.msk $0xffff, v14  }
0x159: {  	s6 =	sadd.s32 $0x1, s6  }
0x15a: {  	p0 =	sne.s32 s6, $0x4  }
.Ltmp9:
0x15b: {  	_ = 	snop;
	(pc) =	sbr.rel @p0 .LBB2_15-.Ltmp9, $2  }
0x15c: {  	_ =	sdelay $0x2  }
0x15d: {  	[tilespmem:s13+$0x3260] =	vst.add.f32.msk $0xffff, v0;
	s12 =	sadd.s32 $0x200, s12  }
0x15e: {  	s12 =	sshll.u32 s11, $0xB  }
0x15f: {  	s13 =	sor.u32 s16, s12  }
0x160: {  	s4 =	simm.s32 $0x0;
	s0 =	sadd.s32 s3, s13  }
0x161: {  	[hbm4b:s0+s23] =	stream.strided.scatter [tilespmem:s4], [sflag:$0x5], $0x1000, s24, s23, $0x38;
	[tilespmem:$0x14000] =	vst v63  }
0x162: {  	s6 =	simm.s32 $0x1000;
	s31 =	sadd.s32 $0x80000, s0  }
0x163: {  	[hbm4b:s31+s23] =	stream.strided.scatter [tilespmem:s6], [sflag:$0x5], $0x1000, s24, s23, $0x38;
	[tilespmem:$0x14000] =	vst v63  }
0x164: {  	s14 =	sadd.s32 $0x100000, s0;
	s31 =	simm.s32 $0x2000  }
0x165: {  	[hbm4b:s14+s23] =	stream.strided.scatter [tilespmem:s31], [sflag:$0x5], $0x1000, s24, s23, $0x38;
	[tilespmem:$0x14000] =	vst v63  }
0x166: {  	p0 =	seq.s32 s11, $0x0;
	s0 =	sadd.s32 $0x180000, s0;
	s6 =	simm.s32 $0x3000  }
0x167: {  	[hbm4b:s0+s23] =	stream.strided.scatter [tilespmem:s6], [sflag:$0x5], $0x1000, s24, s23, $0x38;
	[tilespmem:$0x14000] =	vst v63  }
0x168: {  	s0 =	simm.s32 @!p0 $0x7  }
0x169: {  	_ =	swait.ge @!p0 [sflag:s0], $0x4000  }
0x16a: {  	s14 =	rddreg [dreg:$0x8]  }
0x16b: {  	[sflag:s0] =	ssyncset.done @!p0 $0x0;
	s14 =	sadd.s32 s14, s12  }
0x16c: {  	s31 =	simm.s32 $0x8000;
	[sflag:s0] =	ssyncadd.s32 @!p0 $0xFFFFC000;
	s0 =	sadd.s32 s1, s14  }
0x16d: {  	[tilespmem:s31], [sflag:$0x3] =	stream.strided.gather [hbm4b:s0+s23], $0x1000, s24, s23, $0x38;
	[tilespmem:$0x14000] =	vst v63  }
0x16e: {  	s6 =	sadd.s32 $0x80000, s0  }
0x16f: {  	[tilespmem:s17], [sflag:$0x3] =	stream.strided.gather [hbm4b:s6+s23], $0x1000, s24, s23, $0x38;
	[tilespmem:$0x14000] =	vst v63  }
0x170: {  	s31 =	sadd.s32 $0x100000, s0  }
0x171: {  	[tilespmem:s18], [sflag:$0x3] =	stream.strided.gather [hbm4b:s31+s23], $0x1000, s24, s23, $0x38;
	[tilespmem:$0x14000] =	vst v63  }
0x172: {  	s0 =	sadd.s32 $0x180000, s0  }
0x173: {  	[tilespmem:s19], [sflag:$0x3] =	stream.strided.gather [hbm4b:s0+s23], $0x1000, s24, s23, $0x38;
	[tilespmem:$0x14000] =	vst v63  }
0x174: {  	s6 =	sadd.s32 s2, s14;
	s31 =	simm.s32 $0x12000  }
0x175: {  	[tilespmem:s31], [sflag:$0xB] =	stream.strided.gather [hbm4b:s6+s23], $0x1000, s24, s23, $0x38;
	[tilespmem:$0x14000] =	vst v63  }
0x176: {  	_ =	swait.ge [sflag:s21], $0x4000  }
0x177: {  	[sflag:s21] =	ssyncset.done $0x0  }
0x178: {  	[sflag:s21] =	ssyncadd.s32 $0xFFFFC000  }
0x179: {  	_ =	swait.ge [sflag:s22], $0x1000  }
0x17a: {  	[sflag:s22] =	ssyncset.done $0x0  }
0x17b: {  	s30 =	simm.s32 $0x0;
	s6 =	simm.s32 $0x0;
	[sflag:s22] =	ssyncadd.s32 $0xFFFFF000  }
.LBB2_19:
0x17c: {  	s31 =	sshra.s32 s6, $0x2  }
0x17d: {  	v0 =	vld [tilespmem:s31+$0x11270]  }
0x17e: {  	v1 =	vld [tilespmem:s31+$0x11000]  }
0x17f: {  	v2 =	vld [tilespmem:s31+$0x11010]  }
0x180: {  	v3 =	vld [tilespmem:s31+$0x11020]  }
0x181: {  	v4 =	vld [tilespmem:s31+$0x11030]  }
0x182: {  	v5 =	vld [tilespmem:s31+$0x11040]  }
0x183: {  	v6 =	vld [tilespmem:s31+$0x11050]  }
0x184: {  	v7 =	vld [tilespmem:s31+$0x11060]  }
0x185: {  	v8 =	vld [tilespmem:s31+$0x11070]  }
0x186: {  	v9 =	vld [tilespmem:s31+$0x11200]  }
0x187: {  	v10 =	vld [tilespmem:s31+$0x11210]  }
0x188: {  	v11 =	vld [tilespmem:s31+$0x11220]  }
0x189: {  	v12 =	vld [tilespmem:s31+$0x11230]  }
0x18a: {  	v13 =	vld [tilespmem:s31+$0x11240]  }
0x18b: {  	v14 =	vld [tilespmem:s31+$0x11250]  }
0x18c: {  	[tilespmem:s31+$0x4270] =	vst.add.f32.msk $0xffff, v0  }
0x18d: {  	v0 =	vld [tilespmem:s31+$0x11260]  }
0x18e: {  	[tilespmem:s31+$0x4000] =	vst.add.f32.msk $0xffff, v1  }
0x18f: {  	[tilespmem:s31+$0x4010] =	vst.add.f32.msk $0xffff, v2  }
0x190: {  	[tilespmem:s31+$0x4020] =	vst.add.f32.msk $0xffff, v3  }
0x191: {  	[tilespmem:s31+$0x4030] =	vst.add.f32.msk $0xffff, v4  }
0x192: {  	[tilespmem:s31+$0x4040] =	vst.add.f32.msk $0xffff, v5  }
0x193: {  	[tilespmem:s31+$0x4050] =	vst.add.f32.msk $0xffff, v6  }
0x194: {  	[tilespmem:s31+$0x4060] =	vst.add.f32.msk $0xffff, v7  }
0x195: {  	[tilespmem:s31+$0x4070] =	vst.add.f32.msk $0xffff, v8  }
0x196: {  	[tilespmem:s31+$0x4200] =	vst.add.f32.msk $0xffff, v9  }
0x197: {  	[tilespmem:s31+$0x4210] =	vst.add.f32.msk $0xffff, v10  }
0x198: {  	[tilespmem:s31+$0x4220] =	vst.add.f32.msk $0xffff, v11  }
0x199: {  	[tilespmem:s31+$0x4230] =	vst.add.f32.msk $0xffff, v12  }
0x19a: {  	[tilespmem:s31+$0x4240] =	vst.add.f32.msk $0xffff, v13  }
0x19b: {  	s0 =	simm.s32 $0x0;
	s4 =	sadd.s32 $0x1000, s6;
	[tilespmem:s31+$0x4250] =	vst.add.f32.msk $0xffff, v14  }
.LBB2_20:
0x19c: {  	s0 =	sadd.s32 $0x10, s0;
	[tilespmem:s31+$0x4260] =	vst.add.f32.msk $0xffff, v0;
	s31 =	sshra.s32 s4, $0x2  }
0x19d: {  	v0 =	vld [tilespmem:s31+$0x11270];
	p1 =	slt.u32 s0, $0x30  }
0x19e: {  	v1 =	vld [tilespmem:s31+$0x11000]  }
0x19f: {  	v2 =	vld [tilespmem:s31+$0x11010]  }
0x1a0: {  	v3 =	vld [tilespmem:s31+$0x11020]  }
0x1a1: {  	v4 =	vld [tilespmem:s31+$0x11030]  }
0x1a2: {  	[tilespmem:s31+$0x4270] =	vst.add.f32.msk $0xffff, v0  }
0x1a3: {  	v5 =	vld [tilespmem:s31+$0x11040]  }
0x1a4: {  	v6 =	vld [tilespmem:s31+$0x11050]  }
0x1a5: {  	v7 =	vld [tilespmem:s31+$0x11060]  }
0x1a6: {  	v8 =	vld [tilespmem:s31+$0x11070]  }
0x1a7: {  	v9 =	vld [tilespmem:s31+$0x11200]  }
0x1a8: {  	v10 =	vld [tilespmem:s31+$0x11210]  }
0x1a9: {  	v11 =	vld [tilespmem:s31+$0x11220]  }
0x1aa: {  	v12 =	vld [tilespmem:s31+$0x11230]  }
0x1ab: {  	v13 =	vld [tilespmem:s31+$0x11240]  }
0x1ac: {  	v14 =	vld [tilespmem:s31+$0x11250]  }
0x1ad: {  	v0 =	vld [tilespmem:s31+$0x11260]  }
0x1ae: {  	[tilespmem:s31+$0x4000] =	vst.add.f32.msk $0xffff, v1  }
0x1af: {  	[tilespmem:s31+$0x4010] =	vst.add.f32.msk $0xffff, v2  }
0x1b0: {  	[tilespmem:s31+$0x4020] =	vst.add.f32.msk $0xffff, v3  }
0x1b1: {  	[tilespmem:s31+$0x4030] =	vst.add.f32.msk $0xffff, v4  }
0x1b2: {  	[tilespmem:s31+$0x4040] =	vst.add.f32.msk $0xffff, v5  }
0x1b3: {  	[tilespmem:s31+$0x4050] =	vst.add.f32.msk $0xffff, v6  }
0x1b4: {  	[tilespmem:s31+$0x4060] =	vst.add.f32.msk $0xffff, v7  }
0x1b5: {  	[tilespmem:s31+$0x4070] =	vst.add.f32.msk $0xffff, v8  }
0x1b6: {  	[tilespmem:s31+$0x4200] =	vst.add.f32.msk $0xffff, v9  }
.Ltmp10:
0x1b7: {  	[tilespmem:s31+$0x4210] =	vst.add.f32.msk $0xffff, v10;
	(pc) =	sbr.rel @p1 .LBB2_20-.Ltmp10, $4  }
0x1b8: {  	[tilespmem:s31+$0x4220] =	vst.add.f32.msk $0xffff, v11  }
0x1b9: {  	[tilespmem:s31+$0x4230] =	vst.add.f32.msk $0xffff, v12  }
0x1ba: {  	[tilespmem:s31+$0x4240] =	vst.add.f32.msk $0xffff, v13  }
0x1bb: {  	s4 =	sadd.s32 $0x1000, s4;
	[tilespmem:s31+$0x4250] =	vst.add.f32.msk $0xffff, v14  }
0x1bc: {  	s30 =	sadd.s32 $0x1, s30  }
0x1bd: {  	p1 =	sne.s32 s30, $0x4  }
.Ltmp11:
0x1be: {  	_ = 	snop;
	(pc) =	sbr.rel @p1 .LBB2_19-.Ltmp11, $2  }
0x1bf: {  	_ =	sdelay $0x2  }
0x1c0: {  	[tilespmem:s31+$0x4260] =	vst.add.f32.msk $0xffff, v0;
	s6 =	sadd.s32 $0x200, s6  }
0x1c1: {  	s6 =	simm.s32 $0x0;
	s30 =	simm.s32 $0x0  }
.LBB2_23:
0x1c2: {  	s31 =	sshra.s32 s6, $0x2  }
0x1c3: {  	v0 =	vld [tilespmem:s31+$0x11270]  }
0x1c4: {  	v1 =	vld [tilespmem:s31+$0x11000]  }
0x1c5: {  	v2 =	vld [tilespmem:s31+$0x11010]  }
0x1c6: {  	v3 =	vld [tilespmem:s31+$0x11020]  }
0x1c7: {  	v4 =	vld [tilespmem:s31+$0x11030]  }
0x1c8: {  	v5 =	vld [tilespmem:s31+$0x11040]  }
0x1c9: {  	v6 =	vld [tilespmem:s31+$0x11050]  }
0x1ca: {  	v7 =	vld [tilespmem:s31+$0x11060]  }
0x1cb: {  	v8 =	vld [tilespmem:s31+$0x11070]  }
0x1cc: {  	v9 =	vld [tilespmem:s31+$0x11200]  }
0x1cd: {  	v10 =	vld [tilespmem:s31+$0x11210]  }
0x1ce: {  	v11 =	vld [tilespmem:s31+$0x11220]  }
0x1cf: {  	v12 =	vld [tilespmem:s31+$0x11230]  }
0x1d0: {  	v13 =	vld [tilespmem:s31+$0x11240]  }
0x1d1: {  	v14 =	vld [tilespmem:s31+$0x11250]  }
0x1d2: {  	[tilespmem:s31+$0x5270] =	vst.add.f32.msk $0xffff, v0  }
0x1d3: {  	v0 =	vld [tilespmem:s31+$0x11260]  }
0x1d4: {  	[tilespmem:s31+$0x5000] =	vst.add.f32.msk $0xffff, v1  }
0x1d5: {  	[tilespmem:s31+$0x5010] =	vst.add.f32.msk $0xffff, v2  }
0x1d6: {  	[tilespmem:s31+$0x5020] =	vst.add.f32.msk $0xffff, v3  }
0x1d7: {  	[tilespmem:s31+$0x5030] =	vst.add.f32.msk $0xffff, v4  }
0x1d8: {  	[tilespmem:s31+$0x5040] =	vst.add.f32.msk $0xffff, v5  }
0x1d9: {  	[tilespmem:s31+$0x5050] =	vst.add.f32.msk $0xffff, v6  }
0x1da: {  	[tilespmem:s31+$0x5060] =	vst.add.f32.msk $0xffff, v7  }
0x1db: {  	[tilespmem:s31+$0x5070] =	vst.add.f32.msk $0xffff, v8  }
0x1dc: {  	[tilespmem:s31+$0x5200] =	vst.add.f32.msk $0xffff, v9  }
0x1dd: {  	[tilespmem:s31+$0x5210] =	vst.add.f32.msk $0xffff, v10  }
0x1de: {  	[tilespmem:s31+$0x5220] =	vst.add.f32.msk $0xffff, v11  }
0x1df: {  	[tilespmem:s31+$0x5230] =	vst.add.f32.msk $0xffff, v12  }
0x1e0: {  	[tilespmem:s31+$0x5240] =	vst.add.f32.msk $0xffff, v13  }
0x1e1: {  	s0 =	simm.s32 $0x0;
	s4 =	sadd.s32 $0x1000, s6;
	[tilespmem:s31+$0x5250] =	vst.add.f32.msk $0xffff, v14  }
.LBB2_24:
0x1e2: {  	s0 =	sadd.s32 $0x10, s0;
	[tilespmem:s31+$0x5260] =	vst.add.f32.msk $0xffff, v0;
	s31 =	sshra.s32 s4, $0x2  }
0x1e3: {  	v0 =	vld [tilespmem:s31+$0x11270];
	p1 =	slt.u32 s0, $0x30  }
0x1e4: {  	v1 =	vld [tilespmem:s31+$0x11000]  }
0x1e5: {  	v2 =	vld [tilespmem:s31+$0x11010]  }
0x1e6: {  	v3 =	vld [tilespmem:s31+$0x11020]  }
0x1e7: {  	v4 =	vld [tilespmem:s31+$0x11030]  }
0x1e8: {  	[tilespmem:s31+$0x5270] =	vst.add.f32.msk $0xffff, v0  }
0x1e9: {  	v5 =	vld [tilespmem:s31+$0x11040]  }
0x1ea: {  	v6 =	vld [tilespmem:s31+$0x11050]  }
0x1eb: {  	v7 =	vld [tilespmem:s31+$0x11060]  }
0x1ec: {  	v8 =	vld [tilespmem:s31+$0x11070]  }
0x1ed: {  	v9 =	vld [tilespmem:s31+$0x11200]  }
0x1ee: {  	v10 =	vld [tilespmem:s31+$0x11210]  }
0x1ef: {  	v11 =	vld [tilespmem:s31+$0x11220]  }
0x1f0: {  	v12 =	vld [tilespmem:s31+$0x11230]  }
0x1f1: {  	v13 =	vld [tilespmem:s31+$0x11240]  }
0x1f2: {  	v14 =	vld [tilespmem:s31+$0x11250]  }
0x1f3: {  	v0 =	vld [tilespmem:s31+$0x11260]  }
0x1f4: {  	[tilespmem:s31+$0x5000] =	vst.add.f32.msk $0xffff, v1  }
0x1f5: {  	[tilespmem:s31+$0x5010] =	vst.add.f32.msk $0xffff, v2  }
0x1f6: {  	[tilespmem:s31+$0x5020] =	vst.add.f32.msk $0xffff, v3  }
0x1f7: {  	[tilespmem:s31+$0x5030] =	vst.add.f32.msk $0xffff, v4  }
0x1f8: {  	[tilespmem:s31+$0x5040] =	vst.add.f32.msk $0xffff, v5  }
0x1f9: {  	[tilespmem:s31+$0x5050] =	vst.add.f32.msk $0xffff, v6  }
0x1fa: {  	[tilespmem:s31+$0x5060] =	vst.add.f32.msk $0xffff, v7  }
0x1fb: {  	[tilespmem:s31+$0x5070] =	vst.add.f32.msk $0xffff, v8  }
0x1fc: {  	[tilespmem:s31+$0x5200] =	vst.add.f32.msk $0xffff, v9  }
.Ltmp12:
0x1fd: {  	[tilespmem:s31+$0x5210] =	vst.add.f32.msk $0xffff, v10;
	(pc) =	sbr.rel @p1 .LBB2_24-.Ltmp12, $4  }
0x1fe: {  	[tilespmem:s31+$0x5220] =	vst.add.f32.msk $0xffff, v11  }
0x1ff: {  	[tilespmem:s31+$0x5230] =	vst.add.f32.msk $0xffff, v12  }
0x200: {  	[tilespmem:s31+$0x5240] =	vst.add.f32.msk $0xffff, v13  }
0x201: {  	s4 =	sadd.s32 $0x1000, s4;
	[tilespmem:s31+$0x5250] =	vst.add.f32.msk $0xffff, v14  }
0x202: {  	s30 =	sadd.s32 $0x1, s30  }
0x203: {  	p1 =	sne.s32 s30, $0x4  }
.Ltmp13:
0x204: {  	_ = 	snop;
	(pc) =	sbr.rel @p1 .LBB2_23-.Ltmp13, $2  }
0x205: {  	_ =	sdelay $0x2  }
0x206: {  	[tilespmem:s31+$0x5260] =	vst.add.f32.msk $0xffff, v0;
	s6 =	sadd.s32 $0x200, s6  }
0x207: {  	s6 =	simm.s32 $0x0;
	s30 =	simm.s32 $0x0  }
.LBB2_27:
0x208: {  	s31 =	sshra.s32 s6, $0x2  }
0x209: {  	v0 =	vld [tilespmem:s31+$0x11270]  }
0x20a: {  	v1 =	vld [tilespmem:s31+$0x11000]  }
0x20b: {  	v2 =	vld [tilespmem:s31+$0x11010]  }
0x20c: {  	v3 =	vld [tilespmem:s31+$0x11020]  }
0x20d: {  	v4 =	vld [tilespmem:s31+$0x11030]  }
0x20e: {  	v5 =	vld [tilespmem:s31+$0x11040]  }
0x20f: {  	v6 =	vld [tilespmem:s31+$0x11050]  }
0x210: {  	v7 =	vld [tilespmem:s31+$0x11060]  }
0x211: {  	v8 =	vld [tilespmem:s31+$0x11070]  }
0x212: {  	v9 =	vld [tilespmem:s31+$0x11200]  }
0x213: {  	v10 =	vld [tilespmem:s31+$0x11210]  }
0x214: {  	v11 =	vld [tilespmem:s31+$0x11220]  }
0x215: {  	v12 =	vld [tilespmem:s31+$0x11230]  }
0x216: {  	v13 =	vld [tilespmem:s31+$0x11240]  }
0x217: {  	v14 =	vld [tilespmem:s31+$0x11250]  }
0x218: {  	[tilespmem:s31+$0x6270] =	vst.add.f32.msk $0xffff, v0  }
0x219: {  	v0 =	vld [tilespmem:s31+$0x11260]  }
0x21a: {  	[tilespmem:s31+$0x6000] =	vst.add.f32.msk $0xffff, v1  }
0x21b: {  	[tilespmem:s31+$0x6010] =	vst.add.f32.msk $0xffff, v2  }
0x21c: {  	[tilespmem:s31+$0x6020] =	vst.add.f32.msk $0xffff, v3  }
0x21d: {  	[tilespmem:s31+$0x6030] =	vst.add.f32.msk $0xffff, v4  }
0x21e: {  	[tilespmem:s31+$0x6040] =	vst.add.f32.msk $0xffff, v5  }
0x21f: {  	[tilespmem:s31+$0x6050] =	vst.add.f32.msk $0xffff, v6  }
0x220: {  	[tilespmem:s31+$0x6060] =	vst.add.f32.msk $0xffff, v7  }
0x221: {  	[tilespmem:s31+$0x6070] =	vst.add.f32.msk $0xffff, v8  }
0x222: {  	[tilespmem:s31+$0x6200] =	vst.add.f32.msk $0xffff, v9  }
0x223: {  	[tilespmem:s31+$0x6210] =	vst.add.f32.msk $0xffff, v10  }
0x224: {  	[tilespmem:s31+$0x6220] =	vst.add.f32.msk $0xffff, v11  }
0x225: {  	[tilespmem:s31+$0x6230] =	vst.add.f32.msk $0xffff, v12  }
0x226: {  	[tilespmem:s31+$0x6240] =	vst.add.f32.msk $0xffff, v13  }
0x227: {  	s0 =	simm.s32 $0x0;
	s4 =	sadd.s32 $0x1000, s6;
	[tilespmem:s31+$0x6250] =	vst.add.f32.msk $0xffff, v14  }
.LBB2_28:
0x228: {  	s0 =	sadd.s32 $0x10, s0;
	[tilespmem:s31+$0x6260] =	vst.add.f32.msk $0xffff, v0;
	s31 =	sshra.s32 s4, $0x2  }
0x229: {  	v0 =	vld [tilespmem:s31+$0x11270];
	p1 =	slt.u32 s0, $0x30  }
0x22a: {  	v1 =	vld [tilespmem:s31+$0x11000]  }
0x22b: {  	v2 =	vld [tilespmem:s31+$0x11010]  }
0x22c: {  	v3 =	vld [tilespmem:s31+$0x11020]  }
0x22d: {  	v4 =	vld [tilespmem:s31+$0x11030]  }
0x22e: {  	[tilespmem:s31+$0x6270] =	vst.add.f32.msk $0xffff, v0  }
0x22f: {  	v5 =	vld [tilespmem:s31+$0x11040]  }
0x230: {  	v6 =	vld [tilespmem:s31+$0x11050]  }
0x231: {  	v7 =	vld [tilespmem:s31+$0x11060]  }
0x232: {  	v8 =	vld [tilespmem:s31+$0x11070]  }
0x233: {  	v9 =	vld [tilespmem:s31+$0x11200]  }
0x234: {  	v10 =	vld [tilespmem:s31+$0x11210]  }
0x235: {  	v11 =	vld [tilespmem:s31+$0x11220]  }
0x236: {  	v12 =	vld [tilespmem:s31+$0x11230]  }
0x237: {  	v13 =	vld [tilespmem:s31+$0x11240]  }
0x238: {  	v14 =	vld [tilespmem:s31+$0x11250]  }
0x239: {  	v0 =	vld [tilespmem:s31+$0x11260]  }
0x23a: {  	[tilespmem:s31+$0x6000] =	vst.add.f32.msk $0xffff, v1  }
0x23b: {  	[tilespmem:s31+$0x6010] =	vst.add.f32.msk $0xffff, v2  }
0x23c: {  	[tilespmem:s31+$0x6020] =	vst.add.f32.msk $0xffff, v3  }
0x23d: {  	[tilespmem:s31+$0x6030] =	vst.add.f32.msk $0xffff, v4  }
0x23e: {  	[tilespmem:s31+$0x6040] =	vst.add.f32.msk $0xffff, v5  }
0x23f: {  	[tilespmem:s31+$0x6050] =	vst.add.f32.msk $0xffff, v6  }
0x240: {  	[tilespmem:s31+$0x6060] =	vst.add.f32.msk $0xffff, v7  }
0x241: {  	[tilespmem:s31+$0x6070] =	vst.add.f32.msk $0xffff, v8  }
0x242: {  	[tilespmem:s31+$0x6200] =	vst.add.f32.msk $0xffff, v9  }
.Ltmp14:
0x243: {  	[tilespmem:s31+$0x6210] =	vst.add.f32.msk $0xffff, v10;
	(pc) =	sbr.rel @p1 .LBB2_28-.Ltmp14, $4  }
0x244: {  	[tilespmem:s31+$0x6220] =	vst.add.f32.msk $0xffff, v11  }
0x245: {  	[tilespmem:s31+$0x6230] =	vst.add.f32.msk $0xffff, v12  }
0x246: {  	[tilespmem:s31+$0x6240] =	vst.add.f32.msk $0xffff, v13  }
0x247: {  	s4 =	sadd.s32 $0x1000, s4;
	[tilespmem:s31+$0x6250] =	vst.add.f32.msk $0xffff, v14  }
0x248: {  	s30 =	sadd.s32 $0x1, s30  }
0x249: {  	p1 =	sne.s32 s30, $0x4  }
.Ltmp15:
0x24a: {  	_ = 	snop;
	(pc) =	sbr.rel @p1 .LBB2_27-.Ltmp15, $2  }
0x24b: {  	_ =	sdelay $0x2  }
0x24c: {  	[tilespmem:s31+$0x6260] =	vst.add.f32.msk $0xffff, v0;
	s6 =	sadd.s32 $0x200, s6  }
0x24d: {  	s6 =	simm.s32 $0x0;
	s30 =	simm.s32 $0x0  }
.LBB2_31:
0x24e: {  	s31 =	sshra.s32 s6, $0x2  }
0x24f: {  	v0 =	vld [tilespmem:s31+$0x11270]  }
0x250: {  	v1 =	vld [tilespmem:s31+$0x11000]  }
0x251: {  	v2 =	vld [tilespmem:s31+$0x11010]  }
0x252: {  	v3 =	vld [tilespmem:s31+$0x11020]  }
0x253: {  	v4 =	vld [tilespmem:s31+$0x11030]  }
0x254: {  	v5 =	vld [tilespmem:s31+$0x11040]  }
0x255: {  	v6 =	vld [tilespmem:s31+$0x11050]  }
0x256: {  	v7 =	vld [tilespmem:s31+$0x11060]  }
0x257: {  	v8 =	vld [tilespmem:s31+$0x11070]  }
0x258: {  	v9 =	vld [tilespmem:s31+$0x11200]  }
0x259: {  	v10 =	vld [tilespmem:s31+$0x11210]  }
0x25a: {  	v11 =	vld [tilespmem:s31+$0x11220]  }
0x25b: {  	v12 =	vld [tilespmem:s31+$0x11230]  }
0x25c: {  	v13 =	vld [tilespmem:s31+$0x11240]  }
0x25d: {  	v14 =	vld [tilespmem:s31+$0x11250]  }
0x25e: {  	[tilespmem:s31+$0x7270] =	vst.add.f32.msk $0xffff, v0  }
0x25f: {  	v0 =	vld [tilespmem:s31+$0x11260]  }
0x260: {  	[tilespmem:s31+$0x7000] =	vst.add.f32.msk $0xffff, v1  }
0x261: {  	[tilespmem:s31+$0x7010] =	vst.add.f32.msk $0xffff, v2  }
0x262: {  	[tilespmem:s31+$0x7020] =	vst.add.f32.msk $0xffff, v3  }
0x263: {  	[tilespmem:s31+$0x7030] =	vst.add.f32.msk $0xffff, v4  }
0x264: {  	[tilespmem:s31+$0x7040] =	vst.add.f32.msk $0xffff, v5  }
0x265: {  	[tilespmem:s31+$0x7050] =	vst.add.f32.msk $0xffff, v6  }
0x266: {  	[tilespmem:s31+$0x7060] =	vst.add.f32.msk $0xffff, v7  }
0x267: {  	[tilespmem:s31+$0x7070] =	vst.add.f32.msk $0xffff, v8  }
0x268: {  	[tilespmem:s31+$0x7200] =	vst.add.f32.msk $0xffff, v9  }
0x269: {  	[tilespmem:s31+$0x7210] =	vst.add.f32.msk $0xffff, v10  }
0x26a: {  	[tilespmem:s31+$0x7220] =	vst.add.f32.msk $0xffff, v11  }
0x26b: {  	[tilespmem:s31+$0x7230] =	vst.add.f32.msk $0xffff, v12  }
0x26c: {  	[tilespmem:s31+$0x7240] =	vst.add.f32.msk $0xffff, v13  }
0x26d: {  	s0 =	simm.s32 $0x0;
	s4 =	sadd.s32 $0x1000, s6;
	[tilespmem:s31+$0x7250] =	vst.add.f32.msk $0xffff, v14  }
.LBB2_32:
0x26e: {  	s0 =	sadd.s32 $0x10, s0;
	[tilespmem:s31+$0x7260] =	vst.add.f32.msk $0xffff, v0;
	s31 =	sshra.s32 s4, $0x2  }
0x26f: {  	v0 =	vld [tilespmem:s31+$0x11270];
	p1 =	slt.u32 s0, $0x30  }
0x270: {  	v1 =	vld [tilespmem:s31+$0x11000]  }
0x271: {  	v2 =	vld [tilespmem:s31+$0x11010]  }
0x272: {  	v3 =	vld [tilespmem:s31+$0x11020]  }
0x273: {  	v4 =	vld [tilespmem:s31+$0x11030]  }
0x274: {  	[tilespmem:s31+$0x7270] =	vst.add.f32.msk $0xffff, v0  }
0x275: {  	v5 =	vld [tilespmem:s31+$0x11040]  }
0x276: {  	v6 =	vld [tilespmem:s31+$0x11050]  }
0x277: {  	v7 =	vld [tilespmem:s31+$0x11060]  }
0x278: {  	v8 =	vld [tilespmem:s31+$0x11070]  }
0x279: {  	v9 =	vld [tilespmem:s31+$0x11200]  }
0x27a: {  	v10 =	vld [tilespmem:s31+$0x11210]  }
0x27b: {  	v11 =	vld [tilespmem:s31+$0x11220]  }
0x27c: {  	v12 =	vld [tilespmem:s31+$0x11230]  }
0x27d: {  	v13 =	vld [tilespmem:s31+$0x11240]  }
0x27e: {  	v14 =	vld [tilespmem:s31+$0x11250]  }
0x27f: {  	v0 =	vld [tilespmem:s31+$0x11260]  }
0x280: {  	[tilespmem:s31+$0x7000] =	vst.add.f32.msk $0xffff, v1  }
0x281: {  	[tilespmem:s31+$0x7010] =	vst.add.f32.msk $0xffff, v2  }
0x282: {  	[tilespmem:s31+$0x7020] =	vst.add.f32.msk $0xffff, v3  }
0x283: {  	[tilespmem:s31+$0x7030] =	vst.add.f32.msk $0xffff, v4  }
0x284: {  	[tilespmem:s31+$0x7040] =	vst.add.f32.msk $0xffff, v5  }
0x285: {  	[tilespmem:s31+$0x7050] =	vst.add.f32.msk $0xffff, v6  }
0x286: {  	[tilespmem:s31+$0x7060] =	vst.add.f32.msk $0xffff, v7  }
0x287: {  	[tilespmem:s31+$0x7070] =	vst.add.f32.msk $0xffff, v8  }
0x288: {  	[tilespmem:s31+$0x7200] =	vst.add.f32.msk $0xffff, v9  }
.Ltmp16:
0x289: {  	[tilespmem:s31+$0x7210] =	vst.add.f32.msk $0xffff, v10;
	(pc) =	sbr.rel @p1 .LBB2_32-.Ltmp16, $4  }
0x28a: {  	[tilespmem:s31+$0x7220] =	vst.add.f32.msk $0xffff, v11  }
0x28b: {  	[tilespmem:s31+$0x7230] =	vst.add.f32.msk $0xffff, v12  }
0x28c: {  	[tilespmem:s31+$0x7240] =	vst.add.f32.msk $0xffff, v13  }
0x28d: {  	s4 =	sadd.s32 $0x1000, s4;
	[tilespmem:s31+$0x7250] =	vst.add.f32.msk $0xffff, v14  }
0x28e: {  	s30 =	sadd.s32 $0x1, s30  }
0x28f: {  	p1 =	sne.s32 s30, $0x4  }
.Ltmp17:
0x290: {  	_ = 	snop;
	(pc) =	sbr.rel @p1 .LBB2_31-.Ltmp17, $2  }
0x291: {  	_ =	sdelay $0x2  }
0x292: {  	[tilespmem:s31+$0x7260] =	vst.add.f32.msk $0xffff, v0;
	s6 =	sadd.s32 $0x200, s6  }
0x293: {  	s0 =	rddreg [dreg:$0xa]  }
0x294: {  	s4 =	simm.s32 $0x4000;
	s0 =	sadd.s32 s13, s0  }
0x295: {  	[hbm4b:s0+s23] =	stream.strided.scatter [tilespmem:s4], [sflag:$0x6], $0x1000, s24, s23, $0x38;
	[tilespmem:$0x14000] =	vst v63  }
0x296: {  	s6 =	simm.s32 $0x5000;
	s31 =	sadd.s32 $0x80000, s0  }
0x297: {  	[hbm4b:s31+s23] =	stream.strided.scatter [tilespmem:s6], [sflag:$0x6], $0x1000, s24, s23, $0x38;
	[tilespmem:$0x14000] =	vst v63  }
0x298: {  	s13 =	sadd.s32 $0x100000, s0;
	s31 =	simm.s32 $0x6000  }
0x299: {  	[hbm4b:s13+s23] =	stream.strided.scatter [tilespmem:s31], [sflag:$0x6], $0x1000, s24, s23, $0x38;
	[tilespmem:$0x14000] =	vst v63  }
0x29a: {  	s0 =	sadd.s32 $0x180000, s0;
	s13 =	simm.s32 $0x7000  }
0x29b: {  	[hbm4b:s0+s23] =	stream.strided.scatter [tilespmem:s13], [sflag:$0x6], $0x1000, s24, s23, $0x38;
	[tilespmem:$0x14000] =	vst v63  }
0x29c: {  	s0 =	simm.s32 @!p0 $0x8  }
0x29d: {  	_ =	swait.ge @!p0 [sflag:s0], $0x4000  }
0x29e: {  	s31 =	rddreg [dreg:$0x9]  }
0x29f: {  	[sflag:s0] =	ssyncset.done @!p0 $0x0;
	s13 =	sadd.s32 s31, s12  }
0x2a0: {  	[sflag:s0] =	ssyncadd.s32 @!p0 $0xFFFFC000;
	s0 =	sadd.s32 s1, s13  }
0x2a1: {  	[tilespmem:s7], [sflag:$0x4] =	stream.strided.gather [hbm4b:s0+s23], $0x1000, s24, s23, $0x38;
	[tilespmem:$0x14000] =	vst v63  }
0x2a2: {  	s6 =	sadd.s32 $0x80000, s0  }
0x2a3: {  	[tilespmem:s9], [sflag:$0x4] =	stream.strided.gather [hbm4b:s6+s23], $0x1000, s24, s23, $0x38;
	[tilespmem:$0x14000] =	vst v63  }
0x2a4: {  	s31 =	sadd.s32 $0x100000, s0  }
0x2a5: {  	[tilespmem:s29], [sflag:$0x4] =	stream.strided.gather [hbm4b:s31+s23], $0x1000, s24, s23, $0x38;
	[tilespmem:$0x14000] =	vst v63  }
0x2a6: {  	s0 =	sadd.s32 $0x180000, s0  }
0x2a7: {  	[tilespmem:s20], [sflag:$0x4] =	stream.strided.gather [hbm4b:s0+s23], $0x1000, s24, s23, $0x38;
	[tilespmem:$0x14000] =	vst v63  }
0x2a8: {  	s6 =	sadd.s32 s2, s13;
	s31 =	simm.s32 $0x13000  }
0x2a9: {  	[tilespmem:s31], [sflag:$0xC] =	stream.strided.gather [hbm4b:s6+s23], $0x1000, s24, s23, $0x38;
	[tilespmem:$0x14000] =	vst v63  }
0x2aa: {  	_ =	swait.ge [sflag:s5], $0x4000  }
0x2ab: {  	[sflag:s5] =	ssyncset.done $0x0  }
0x2ac: {  	[sflag:s5] =	ssyncadd.s32 $0xFFFFC000  }
0x2ad: {  	_ =	swait.ge [sflag:s25], $0x1000  }
0x2ae: {  	[sflag:s25] =	ssyncset.done $0x0  }
0x2af: {  	s30 =	simm.s32 $0x0;
	s6 =	simm.s32 $0x0;
	[sflag:s25] =	ssyncadd.s32 $0xFFFFF000  }
.LBB2_35:
0x2b0: {  	s31 =	sshra.s32 s6, $0x2  }
0x2b1: {  	v0 =	vld [tilespmem:s31+$0x12270]  }
0x2b2: {  	v1 =	vld [tilespmem:s31+$0x12000]  }
0x2b3: {  	v2 =	vld [tilespmem:s31+$0x12010]  }
0x2b4: {  	v3 =	vld [tilespmem:s31+$0x12020]  }
0x2b5: {  	v4 =	vld [tilespmem:s31+$0x12030]  }
0x2b6: {  	v5 =	vld [tilespmem:s31+$0x12040]  }
0x2b7: {  	v6 =	vld [tilespmem:s31+$0x12050]  }
0x2b8: {  	v7 =	vld [tilespmem:s31+$0x12060]  }
0x2b9: {  	v8 =	vld [tilespmem:s31+$0x12070]  }
0x2ba: {  	v9 =	vld [tilespmem:s31+$0x12200]  }
0x2bb: {  	v10 =	vld [tilespmem:s31+$0x12210]  }
0x2bc: {  	v11 =	vld [tilespmem:s31+$0x12220]  }
0x2bd: {  	v12 =	vld [tilespmem:s31+$0x12230]  }
0x2be: {  	v13 =	vld [tilespmem:s31+$0x12240]  }
0x2bf: {  	v14 =	vld [tilespmem:s31+$0x12250]  }
0x2c0: {  	[tilespmem:s31+$0x8270] =	vst.add.f32.msk $0xffff, v0  }
0x2c1: {  	v0 =	vld [tilespmem:s31+$0x12260]  }
0x2c2: {  	[tilespmem:s31+$0x8000] =	vst.add.f32.msk $0xffff, v1  }
0x2c3: {  	[tilespmem:s31+$0x8010] =	vst.add.f32.msk $0xffff, v2  }
0x2c4: {  	[tilespmem:s31+$0x8020] =	vst.add.f32.msk $0xffff, v3  }
0x2c5: {  	[tilespmem:s31+$0x8030] =	vst.add.f32.msk $0xffff, v4  }
0x2c6: {  	[tilespmem:s31+$0x8040] =	vst.add.f32.msk $0xffff, v5  }
0x2c7: {  	[tilespmem:s31+$0x8050] =	vst.add.f32.msk $0xffff, v6  }
0x2c8: {  	[tilespmem:s31+$0x8060] =	vst.add.f32.msk $0xffff, v7  }
0x2c9: {  	[tilespmem:s31+$0x8070] =	vst.add.f32.msk $0xffff, v8  }
0x2ca: {  	[tilespmem:s31+$0x8200] =	vst.add.f32.msk $0xffff, v9  }
0x2cb: {  	[tilespmem:s31+$0x8210] =	vst.add.f32.msk $0xffff, v10  }
0x2cc: {  	[tilespmem:s31+$0x8220] =	vst.add.f32.msk $0xffff, v11  }
0x2cd: {  	[tilespmem:s31+$0x8230] =	vst.add.f32.msk $0xffff, v12  }
0x2ce: {  	[tilespmem:s31+$0x8240] =	vst.add.f32.msk $0xffff, v13  }
0x2cf: {  	s0 =	simm.s32 $0x0;
	s4 =	sadd.s32 $0x1000, s6;
	[tilespmem:s31+$0x8250] =	vst.add.f32.msk $0xffff, v14  }
.LBB2_36:
0x2d0: {  	s0 =	sadd.s32 $0x10, s0;
	[tilespmem:s31+$0x8260] =	vst.add.f32.msk $0xffff, v0;
	s31 =	sshra.s32 s4, $0x2  }
0x2d1: {  	v0 =	vld [tilespmem:s31+$0x12270];
	p0 =	slt.u32 s0, $0x30  }
0x2d2: {  	v1 =	vld [tilespmem:s31+$0x12000]  }
0x2d3: {  	v2 =	vld [tilespmem:s31+$0x12010]  }
0x2d4: {  	v3 =	vld [tilespmem:s31+$0x12020]  }
0x2d5: {  	v4 =	vld [tilespmem:s31+$0x12030]  }
0x2d6: {  	[tilespmem:s31+$0x8270] =	vst.add.f32.msk $0xffff, v0  }
0x2d7: {  	v5 =	vld [tilespmem:s31+$0x12040]  }
0x2d8: {  	v6 =	vld [tilespmem:s31+$0x12050]  }
0x2d9: {  	v7 =	vld [tilespmem:s31+$0x12060]  }
0x2da: {  	v8 =	vld [tilespmem:s31+$0x12070]  }
0x2db: {  	v9 =	vld [tilespmem:s31+$0x12200]  }
0x2dc: {  	v10 =	vld [tilespmem:s31+$0x12210]  }
0x2dd: {  	v11 =	vld [tilespmem:s31+$0x12220]  }
0x2de: {  	v12 =	vld [tilespmem:s31+$0x12230]  }
0x2df: {  	v13 =	vld [tilespmem:s31+$0x12240]  }
0x2e0: {  	v14 =	vld [tilespmem:s31+$0x12250]  }
0x2e1: {  	v0 =	vld [tilespmem:s31+$0x12260]  }
0x2e2: {  	[tilespmem:s31+$0x8000] =	vst.add.f32.msk $0xffff, v1  }
0x2e3: {  	[tilespmem:s31+$0x8010] =	vst.add.f32.msk $0xffff, v2  }
0x2e4: {  	[tilespmem:s31+$0x8020] =	vst.add.f32.msk $0xffff, v3  }
0x2e5: {  	[tilespmem:s31+$0x8030] =	vst.add.f32.msk $0xffff, v4  }
0x2e6: {  	[tilespmem:s31+$0x8040] =	vst.add.f32.msk $0xffff, v5  }
0x2e7: {  	[tilespmem:s31+$0x8050] =	vst.add.f32.msk $0xffff, v6  }
0x2e8: {  	[tilespmem:s31+$0x8060] =	vst.add.f32.msk $0xffff, v7  }
0x2e9: {  	[tilespmem:s31+$0x8070] =	vst.add.f32.msk $0xffff, v8  }
0x2ea: {  	[tilespmem:s31+$0x8200] =	vst.add.f32.msk $0xffff, v9  }
.Ltmp18:
0x2eb: {  	[tilespmem:s31+$0x8210] =	vst.add.f32.msk $0xffff, v10;
	(pc) =	sbr.rel @p0 .LBB2_36-.Ltmp18, $4  }
0x2ec: {  	[tilespmem:s31+$0x8220] =	vst.add.f32.msk $0xffff, v11  }
0x2ed: {  	[tilespmem:s31+$0x8230] =	vst.add.f32.msk $0xffff, v12  }
0x2ee: {  	[tilespmem:s31+$0x8240] =	vst.add.f32.msk $0xffff, v13  }
0x2ef: {  	s4 =	sadd.s32 $0x1000, s4;
	[tilespmem:s31+$0x8250] =	vst.add.f32.msk $0xffff, v14  }
0x2f0: {  	s30 =	sadd.s32 $0x1, s30  }
0x2f1: {  	p0 =	sne.s32 s30, $0x4  }
.Ltmp19:
0x2f2: {  	_ = 	snop;
	(pc) =	sbr.rel @p0 .LBB2_35-.Ltmp19, $2  }
0x2f3: {  	_ =	sdelay $0x2  }
0x2f4: {  	[tilespmem:s31+$0x8260] =	vst.add.f32.msk $0xffff, v0;
	s6 =	sadd.s32 $0x200, s6  }
0x2f5: {  	s6 =	simm.s32 $0x0;
	s30 =	simm.s32 $0x0  }
.LBB2_39:
0x2f6: {  	s31 =	sshra.s32 s6, $0x2  }
0x2f7: {  	v0 =	vld [tilespmem:s31+$0x12270]  }
0x2f8: {  	v1 =	vld [tilespmem:s31+$0x12000]  }
0x2f9: {  	v2 =	vld [tilespmem:s31+$0x12010]  }
0x2fa: {  	v3 =	vld [tilespmem:s31+$0x12020]  }
0x2fb: {  	v4 =	vld [tilespmem:s31+$0x12030]  }
0x2fc: {  	v5 =	vld [tilespmem:s31+$0x12040]  }
0x2fd: {  	v6 =	vld [tilespmem:s31+$0x12050]  }
0x2fe: {  	v7 =	vld [tilespmem:s31+$0x12060]  }
0x2ff: {  	v8 =	vld [tilespmem:s31+$0x12070]  }
0x300: {  	v9 =	vld [tilespmem:s31+$0x12200]  }
0x301: {  	v10 =	vld [tilespmem:s31+$0x12210]  }
0x302: {  	v11 =	vld [tilespmem:s31+$0x12220]  }
0x303: {  	v12 =	vld [tilespmem:s31+$0x12230]  }
0x304: {  	v13 =	vld [tilespmem:s31+$0x12240]  }
0x305: {  	v14 =	vld [tilespmem:s31+$0x12250]  }
0x306: {  	[tilespmem:s31+$0x9270] =	vst.add.f32.msk $0xffff, v0  }
0x307: {  	v0 =	vld [tilespmem:s31+$0x12260]  }
0x308: {  	[tilespmem:s31+$0x9000] =	vst.add.f32.msk $0xffff, v1  }
0x309: {  	[tilespmem:s31+$0x9010] =	vst.add.f32.msk $0xffff, v2  }
0x30a: {  	[tilespmem:s31+$0x9020] =	vst.add.f32.msk $0xffff, v3  }
0x30b: {  	[tilespmem:s31+$0x9030] =	vst.add.f32.msk $0xffff, v4  }
0x30c: {  	[tilespmem:s31+$0x9040] =	vst.add.f32.msk $0xffff, v5  }
0x30d: {  	[tilespmem:s31+$0x9050] =	vst.add.f32.msk $0xffff, v6  }
0x30e: {  	[tilespmem:s31+$0x9060] =	vst.add.f32.msk $0xffff, v7  }
0x30f: {  	[tilespmem:s31+$0x9070] =	vst.add.f32.msk $0xffff, v8  }
0x310: {  	[tilespmem:s31+$0x9200] =	vst.add.f32.msk $0xffff, v9  }
0x311: {  	[tilespmem:s31+$0x9210] =	vst.add.f32.msk $0xffff, v10  }
0x312: {  	[tilespmem:s31+$0x9220] =	vst.add.f32.msk $0xffff, v11  }
0x313: {  	[tilespmem:s31+$0x9230] =	vst.add.f32.msk $0xffff, v12  }
0x314: {  	[tilespmem:s31+$0x9240] =	vst.add.f32.msk $0xffff, v13  }
0x315: {  	s0 =	simm.s32 $0x0;
	s4 =	sadd.s32 $0x1000, s6;
	[tilespmem:s31+$0x9250] =	vst.add.f32.msk $0xffff, v14  }
.LBB2_40:
0x316: {  	s0 =	sadd.s32 $0x10, s0;
	[tilespmem:s31+$0x9260] =	vst.add.f32.msk $0xffff, v0;
	s31 =	sshra.s32 s4, $0x2  }
0x317: {  	v0 =	vld [tilespmem:s31+$0x12270];
	p0 =	slt.u32 s0, $0x30  }
0x318: {  	v1 =	vld [tilespmem:s31+$0x12000]  }
0x319: {  	v2 =	vld [tilespmem:s31+$0x12010]  }
0x31a: {  	v3 =	vld [tilespmem:s31+$0x12020]  }
0x31b: {  	v4 =	vld [tilespmem:s31+$0x12030]  }
0x31c: {  	[tilespmem:s31+$0x9270] =	vst.add.f32.msk $0xffff, v0  }
0x31d: {  	v5 =	vld [tilespmem:s31+$0x12040]  }
0x31e: {  	v6 =	vld [tilespmem:s31+$0x12050]  }
0x31f: {  	v7 =	vld [tilespmem:s31+$0x12060]  }
0x320: {  	v8 =	vld [tilespmem:s31+$0x12070]  }
0x321: {  	v9 =	vld [tilespmem:s31+$0x12200]  }
0x322: {  	v10 =	vld [tilespmem:s31+$0x12210]  }
0x323: {  	v11 =	vld [tilespmem:s31+$0x12220]  }
0x324: {  	v12 =	vld [tilespmem:s31+$0x12230]  }
0x325: {  	v13 =	vld [tilespmem:s31+$0x12240]  }
0x326: {  	v14 =	vld [tilespmem:s31+$0x12250]  }
0x327: {  	v0 =	vld [tilespmem:s31+$0x12260]  }
0x328: {  	[tilespmem:s31+$0x9000] =	vst.add.f32.msk $0xffff, v1  }
0x329: {  	[tilespmem:s31+$0x9010] =	vst.add.f32.msk $0xffff, v2  }
0x32a: {  	[tilespmem:s31+$0x9020] =	vst.add.f32.msk $0xffff, v3  }
0x32b: {  	[tilespmem:s31+$0x9030] =	vst.add.f32.msk $0xffff, v4  }
0x32c: {  	[tilespmem:s31+$0x9040] =	vst.add.f32.msk $0xffff, v5  }
0x32d: {  	[tilespmem:s31+$0x9050] =	vst.add.f32.msk $0xffff, v6  }
0x32e: {  	[tilespmem:s31+$0x9060] =	vst.add.f32.msk $0xffff, v7  }
0x32f: {  	[tilespmem:s31+$0x9070] =	vst.add.f32.msk $0xffff, v8  }
0x330: {  	[tilespmem:s31+$0x9200] =	vst.add.f32.msk $0xffff, v9  }
.Ltmp20:
0x331: {  	[tilespmem:s31+$0x9210] =	vst.add.f32.msk $0xffff, v10;
	(pc) =	sbr.rel @p0 .LBB2_40-.Ltmp20, $4  }
0x332: {  	[tilespmem:s31+$0x9220] =	vst.add.f32.msk $0xffff, v11  }
0x333: {  	[tilespmem:s31+$0x9230] =	vst.add.f32.msk $0xffff, v12  }
0x334: {  	[tilespmem:s31+$0x9240] =	vst.add.f32.msk $0xffff, v13  }
0x335: {  	s4 =	sadd.s32 $0x1000, s4;
	[tilespmem:s31+$0x9250] =	vst.add.f32.msk $0xffff, v14  }
0x336: {  	s30 =	sadd.s32 $0x1, s30  }
0x337: {  	p0 =	sne.s32 s30, $0x4  }
.Ltmp21:
0x338: {  	_ = 	snop;
	(pc) =	sbr.rel @p0 .LBB2_39-.Ltmp21, $2  }
0x339: {  	_ =	sdelay $0x2  }
0x33a: {  	[tilespmem:s31+$0x9260] =	vst.add.f32.msk $0xffff, v0;
	s6 =	sadd.s32 $0x200, s6  }
0x33b: {  	s6 =	simm.s32 $0x0;
	s30 =	simm.s32 $0x0  }
.LBB2_43:
0x33c: {  	s31 =	sshra.s32 s6, $0x2  }
0x33d: {  	v0 =	vld [tilespmem:s31+$0x12270]  }
0x33e: {  	v1 =	vld [tilespmem:s31+$0x12000]  }
0x33f: {  	v2 =	vld [tilespmem:s31+$0x12010]  }
0x340: {  	v3 =	vld [tilespmem:s31+$0x12020]  }
0x341: {  	v4 =	vld [tilespmem:s31+$0x12030]  }
0x342: {  	v5 =	vld [tilespmem:s31+$0x12040]  }
0x343: {  	v6 =	vld [tilespmem:s31+$0x12050]  }
0x344: {  	v7 =	vld [tilespmem:s31+$0x12060]  }
0x345: {  	v8 =	vld [tilespmem:s31+$0x12070]  }
0x346: {  	v9 =	vld [tilespmem:s31+$0x12200]  }
0x347: {  	v10 =	vld [tilespmem:s31+$0x12210]  }
0x348: {  	v11 =	vld [tilespmem:s31+$0x12220]  }
0x349: {  	v12 =	vld [tilespmem:s31+$0x12230]  }
0x34a: {  	v13 =	vld [tilespmem:s31+$0x12240]  }
0x34b: {  	v14 =	vld [tilespmem:s31+$0x12250]  }
0x34c: {  	[tilespmem:s31+$0xA270] =	vst.add.f32.msk $0xffff, v0  }
0x34d: {  	v0 =	vld [tilespmem:s31+$0x12260]  }
0x34e: {  	[tilespmem:s31+$0xA000] =	vst.add.f32.msk $0xffff, v1  }
0x34f: {  	[tilespmem:s31+$0xA010] =	vst.add.f32.msk $0xffff, v2  }
0x350: {  	[tilespmem:s31+$0xA020] =	vst.add.f32.msk $0xffff, v3  }
0x351: {  	[tilespmem:s31+$0xA030] =	vst.add.f32.msk $0xffff, v4  }
0x352: {  	[tilespmem:s31+$0xA040] =	vst.add.f32.msk $0xffff, v5  }
0x353: {  	[tilespmem:s31+$0xA050] =	vst.add.f32.msk $0xffff, v6  }
0x354: {  	[tilespmem:s31+$0xA060] =	vst.add.f32.msk $0xffff, v7  }
0x355: {  	[tilespmem:s31+$0xA070] =	vst.add.f32.msk $0xffff, v8  }
0x356: {  	[tilespmem:s31+$0xA200] =	vst.add.f32.msk $0xffff, v9  }
0x357: {  	[tilespmem:s31+$0xA210] =	vst.add.f32.msk $0xffff, v10  }
0x358: {  	[tilespmem:s31+$0xA220] =	vst.add.f32.msk $0xffff, v11  }
0x359: {  	[tilespmem:s31+$0xA230] =	vst.add.f32.msk $0xffff, v12  }
0x35a: {  	[tilespmem:s31+$0xA240] =	vst.add.f32.msk $0xffff, v13  }
0x35b: {  	s0 =	simm.s32 $0x0;
	s4 =	sadd.s32 $0x1000, s6;
	[tilespmem:s31+$0xA250] =	vst.add.f32.msk $0xffff, v14  }
.LBB2_44:
0x35c: {  	s0 =	sadd.s32 $0x10, s0;
	[tilespmem:s31+$0xA260] =	vst.add.f32.msk $0xffff, v0;
	s31 =	sshra.s32 s4, $0x2  }
0x35d: {  	v0 =	vld [tilespmem:s31+$0x12270];
	p0 =	slt.u32 s0, $0x30  }
0x35e: {  	v1 =	vld [tilespmem:s31+$0x12000]  }
0x35f: {  	v2 =	vld [tilespmem:s31+$0x12010]  }
0x360: {  	v3 =	vld [tilespmem:s31+$0x12020]  }
0x361: {  	v4 =	vld [tilespmem:s31+$0x12030]  }
0x362: {  	[tilespmem:s31+$0xA270] =	vst.add.f32.msk $0xffff, v0  }
0x363: {  	v5 =	vld [tilespmem:s31+$0x12040]  }
0x364: {  	v6 =	vld [tilespmem:s31+$0x12050]  }
0x365: {  	v7 =	vld [tilespmem:s31+$0x12060]  }
0x366: {  	v8 =	vld [tilespmem:s31+$0x12070]  }
0x367: {  	v9 =	vld [tilespmem:s31+$0x12200]  }
0x368: {  	v10 =	vld [tilespmem:s31+$0x12210]  }
0x369: {  	v11 =	vld [tilespmem:s31+$0x12220]  }
0x36a: {  	v12 =	vld [tilespmem:s31+$0x12230]  }
0x36b: {  	v13 =	vld [tilespmem:s31+$0x12240]  }
0x36c: {  	v14 =	vld [tilespmem:s31+$0x12250]  }
0x36d: {  	v0 =	vld [tilespmem:s31+$0x12260]  }
0x36e: {  	[tilespmem:s31+$0xA000] =	vst.add.f32.msk $0xffff, v1  }
0x36f: {  	[tilespmem:s31+$0xA010] =	vst.add.f32.msk $0xffff, v2  }
0x370: {  	[tilespmem:s31+$0xA020] =	vst.add.f32.msk $0xffff, v3  }
0x371: {  	[tilespmem:s31+$0xA030] =	vst.add.f32.msk $0xffff, v4  }
0x372: {  	[tilespmem:s31+$0xA040] =	vst.add.f32.msk $0xffff, v5  }
0x373: {  	[tilespmem:s31+$0xA050] =	vst.add.f32.msk $0xffff, v6  }
0x374: {  	[tilespmem:s31+$0xA060] =	vst.add.f32.msk $0xffff, v7  }
0x375: {  	[tilespmem:s31+$0xA070] =	vst.add.f32.msk $0xffff, v8  }
0x376: {  	[tilespmem:s31+$0xA200] =	vst.add.f32.msk $0xffff, v9  }
.Ltmp22:
0x377: {  	[tilespmem:s31+$0xA210] =	vst.add.f32.msk $0xffff, v10;
	(pc) =	sbr.rel @p0 .LBB2_44-.Ltmp22, $4  }
0x378: {  	[tilespmem:s31+$0xA220] =	vst.add.f32.msk $0xffff, v11  }
0x379: {  	[tilespmem:s31+$0xA230] =	vst.add.f32.msk $0xffff, v12  }
0x37a: {  	[tilespmem:s31+$0xA240] =	vst.add.f32.msk $0xffff, v13  }
0x37b: {  	s4 =	sadd.s32 $0x1000, s4;
	[tilespmem:s31+$0xA250] =	vst.add.f32.msk $0xffff, v14  }
0x37c: {  	s30 =	sadd.s32 $0x1, s30  }
0x37d: {  	p0 =	sne.s32 s30, $0x4  }
.Ltmp23:
0x37e: {  	_ = 	snop;
	(pc) =	sbr.rel @p0 .LBB2_43-.Ltmp23, $2  }
0x37f: {  	_ =	sdelay $0x2  }
0x380: {  	[tilespmem:s31+$0xA260] =	vst.add.f32.msk $0xffff, v0;
	s6 =	sadd.s32 $0x200, s6  }
0x381: {  	s6 =	simm.s32 $0x0;
	s30 =	simm.s32 $0x0  }
.LBB2_47:
0x382: {  	s31 =	sshra.s32 s6, $0x2  }
0x383: {  	v0 =	vld [tilespmem:s31+$0x12270]  }
0x384: {  	v1 =	vld [tilespmem:s31+$0x12000]  }
0x385: {  	v2 =	vld [tilespmem:s31+$0x12010]  }
0x386: {  	v3 =	vld [tilespmem:s31+$0x12020]  }
0x387: {  	v4 =	vld [tilespmem:s31+$0x12030]  }
0x388: {  	v5 =	vld [tilespmem:s31+$0x12040]  }
0x389: {  	v6 =	vld [tilespmem:s31+$0x12050]  }
0x38a: {  	v7 =	vld [tilespmem:s31+$0x12060]  }
0x38b: {  	v8 =	vld [tilespmem:s31+$0x12070]  }
0x38c: {  	v9 =	vld [tilespmem:s31+$0x12200]  }
0x38d: {  	v10 =	vld [tilespmem:s31+$0x12210]  }
0x38e: {  	v11 =	vld [tilespmem:s31+$0x12220]  }
0x38f: {  	v12 =	vld [tilespmem:s31+$0x12230]  }
0x390: {  	v13 =	vld [tilespmem:s31+$0x12240]  }
0x391: {  	v14 =	vld [tilespmem:s31+$0x12250]  }
0x392: {  	[tilespmem:s31+$0xB270] =	vst.add.f32.msk $0xffff, v0  }
0x393: {  	v0 =	vld [tilespmem:s31+$0x12260]  }
0x394: {  	[tilespmem:s31+$0xB000] =	vst.add.f32.msk $0xffff, v1  }
0x395: {  	[tilespmem:s31+$0xB010] =	vst.add.f32.msk $0xffff, v2  }
0x396: {  	[tilespmem:s31+$0xB020] =	vst.add.f32.msk $0xffff, v3  }
0x397: {  	[tilespmem:s31+$0xB030] =	vst.add.f32.msk $0xffff, v4  }
0x398: {  	[tilespmem:s31+$0xB040] =	vst.add.f32.msk $0xffff, v5  }
0x399: {  	[tilespmem:s31+$0xB050] =	vst.add.f32.msk $0xffff, v6  }
0x39a: {  	[tilespmem:s31+$0xB060] =	vst.add.f32.msk $0xffff, v7  }
0x39b: {  	[tilespmem:s31+$0xB070] =	vst.add.f32.msk $0xffff, v8  }
0x39c: {  	[tilespmem:s31+$0xB200] =	vst.add.f32.msk $0xffff, v9  }
0x39d: {  	[tilespmem:s31+$0xB210] =	vst.add.f32.msk $0xffff, v10  }
0x39e: {  	[tilespmem:s31+$0xB220] =	vst.add.f32.msk $0xffff, v11  }
0x39f: {  	[tilespmem:s31+$0xB230] =	vst.add.f32.msk $0xffff, v12  }
0x3a0: {  	[tilespmem:s31+$0xB240] =	vst.add.f32.msk $0xffff, v13  }
0x3a1: {  	s0 =	simm.s32 $0x0;
	s4 =	sadd.s32 $0x1000, s6;
	[tilespmem:s31+$0xB250] =	vst.add.f32.msk $0xffff, v14  }
.LBB2_48:
0x3a2: {  	s0 =	sadd.s32 $0x10, s0;
	[tilespmem:s31+$0xB260] =	vst.add.f32.msk $0xffff, v0;
	s31 =	sshra.s32 s4, $0x2  }
0x3a3: {  	v0 =	vld [tilespmem:s31+$0x12270];
	p0 =	slt.u32 s0, $0x30  }
0x3a4: {  	v1 =	vld [tilespmem:s31+$0x12000]  }
0x3a5: {  	v2 =	vld [tilespmem:s31+$0x12010]  }
0x3a6: {  	v3 =	vld [tilespmem:s31+$0x12020]  }
0x3a7: {  	v4 =	vld [tilespmem:s31+$0x12030]  }
0x3a8: {  	[tilespmem:s31+$0xB270] =	vst.add.f32.msk $0xffff, v0  }
0x3a9: {  	v5 =	vld [tilespmem:s31+$0x12040]  }
0x3aa: {  	v6 =	vld [tilespmem:s31+$0x12050]  }
0x3ab: {  	v7 =	vld [tilespmem:s31+$0x12060]  }
0x3ac: {  	v8 =	vld [tilespmem:s31+$0x12070]  }
0x3ad: {  	v9 =	vld [tilespmem:s31+$0x12200]  }
0x3ae: {  	v10 =	vld [tilespmem:s31+$0x12210]  }
0x3af: {  	v11 =	vld [tilespmem:s31+$0x12220]  }
0x3b0: {  	v12 =	vld [tilespmem:s31+$0x12230]  }
0x3b1: {  	v13 =	vld [tilespmem:s31+$0x12240]  }
0x3b2: {  	v14 =	vld [tilespmem:s31+$0x12250]  }
0x3b3: {  	v0 =	vld [tilespmem:s31+$0x12260]  }
0x3b4: {  	[tilespmem:s31+$0xB000] =	vst.add.f32.msk $0xffff, v1  }
0x3b5: {  	[tilespmem:s31+$0xB010] =	vst.add.f32.msk $0xffff, v2  }
0x3b6: {  	[tilespmem:s31+$0xB020] =	vst.add.f32.msk $0xffff, v3  }
0x3b7: {  	[tilespmem:s31+$0xB030] =	vst.add.f32.msk $0xffff, v4  }
0x3b8: {  	[tilespmem:s31+$0xB040] =	vst.add.f32.msk $0xffff, v5  }
0x3b9: {  	[tilespmem:s31+$0xB050] =	vst.add.f32.msk $0xffff, v6  }
0x3ba: {  	[tilespmem:s31+$0xB060] =	vst.add.f32.msk $0xffff, v7  }
0x3bb: {  	[tilespmem:s31+$0xB070] =	vst.add.f32.msk $0xffff, v8  }
0x3bc: {  	[tilespmem:s31+$0xB200] =	vst.add.f32.msk $0xffff, v9  }
.Ltmp24:
0x3bd: {  	[tilespmem:s31+$0xB210] =	vst.add.f32.msk $0xffff, v10;
	(pc) =	sbr.rel @p0 .LBB2_48-.Ltmp24, $4  }
0x3be: {  	[tilespmem:s31+$0xB220] =	vst.add.f32.msk $0xffff, v11  }
0x3bf: {  	[tilespmem:s31+$0xB230] =	vst.add.f32.msk $0xffff, v12  }
0x3c0: {  	[tilespmem:s31+$0xB240] =	vst.add.f32.msk $0xffff, v13  }
0x3c1: {  	s4 =	sadd.s32 $0x1000, s4;
	[tilespmem:s31+$0xB250] =	vst.add.f32.msk $0xffff, v14  }
0x3c2: {  	s30 =	sadd.s32 $0x1, s30  }
0x3c3: {  	p0 =	sne.s32 s30, $0x4  }
.Ltmp25:
0x3c4: {  	_ = 	snop;
	(pc) =	sbr.rel @p0 .LBB2_47-.Ltmp25, $2  }
0x3c5: {  	_ =	sdelay $0x2  }
0x3c6: {  	[tilespmem:s31+$0xB260] =	vst.add.f32.msk $0xffff, v0;
	s6 =	sadd.s32 $0x200, s6  }
0x3c7: {  	s0 =	sadd.s32 s3, s14;
	s4 =	simm.s32 $0x8000  }
0x3c8: {  	[hbm4b:s0+s23] =	stream.strided.scatter [tilespmem:s4], [sflag:$0x7], $0x1000, s24, s23, $0x38;
	[tilespmem:$0x14000] =	vst v63  }
0x3c9: {  	s30 =	sadd.s32 $0x80000, s0  }
0x3ca: {  	[hbm4b:s30+s23] =	stream.strided.scatter [tilespmem:s17], [sflag:$0x7], $0x1000, s24, s23, $0x38;
	[tilespmem:$0x14000] =	vst v63  }
0x3cb: {  	s31 =	sadd.s32 $0x100000, s0  }
0x3cc: {  	[hbm4b:s31+s23] =	stream.strided.scatter [tilespmem:s18], [sflag:$0x7], $0x1000, s24, s23, $0x38;
	[tilespmem:$0x14000] =	vst v63  }
0x3cd: {  	p0 =	seq.s32 s11, $0x7;
	s0 =	sadd.s32 $0x180000, s0  }
0x3ce: {  	[hbm4b:s0+s23] =	stream.strided.scatter [tilespmem:s19], [sflag:$0x7], $0x1000, s24, s23, $0x38;
	[tilespmem:$0x14000] =	vst v63  }
0x3cf: {  	s0 =	simm.s32 @!p0 $0x5  }
0x3d0: {  	_ =	swait.ge @!p0 [sflag:s0], $0x4000  }
0x3d1: {  	s6 =	simm.s32 @!p0 $0x200;
	s4 =	rddreg [dreg:$0xb]  }
0x3d2: {  	s14 =	simm.s32 @!p0 $0x400;
	[sflag:s0] =	ssyncset.done @!p0 $0x0;
	s4 =	sadd.s32 @!p0 s12, s4  }
0x3d3: {  	s30 =	simm.s32 @!p0 $0x0;
	[sflag:s0] =	ssyncadd.s32 @!p0 $0xFFFFC000;
	s0 =	sadd.s32 @!p0 s1, s4  }
0x3d4: {  	[tilespmem:s30], [sflag:$0x1] =	stream.strided.gather @!p0 [hbm4b:s0+s6], $0x1000, s14, s6, $0x38;
	[tilespmem:$0x14000] =	vst v63  }
0x3d5: {  	s31 =	simm.s32 @!p0 $0x1000;
	s30 =	sadd.s32 @!p0 $0x80000, s0  }
0x3d6: {  	[tilespmem:s31], [sflag:$0x1] =	stream.strided.gather @!p0 [hbm4b:s30+s6], $0x1000, s14, s6, $0x38;
	[tilespmem:$0x14000] =	vst v63  }
0x3d7: {  	s30 =	sadd.s32 @!p0 $0x100000, s0;
	s31 =	simm.s32 @!p0 $0x2000  }
0x3d8: {  	[tilespmem:s31], [sflag:$0x1] =	stream.strided.gather @!p0 [hbm4b:s30+s6], $0x1000, s14, s6, $0x38;
	[tilespmem:$0x14000] =	vst v63  }
0x3d9: {  	s0 =	sadd.s32 @!p0 $0x180000, s0;
	s30 =	simm.s32 @!p0 $0x3000  }
0x3da: {  	[tilespmem:s30], [sflag:$0x1] =	stream.strided.gather @!p0 [hbm4b:s0+s6], $0x1000, s14, s6, $0x38;
	[tilespmem:$0x14000] =	vst v63  }
0x3db: {  	s0 =	sadd.s32 @!p0 s2, s4;
	s4 =	simm.s32 @!p0 $0x10000  }
0x3dc: {  	[tilespmem:s4], [sflag:$0x9] =	stream.strided.gather @!p0 [hbm4b:s0+s6], $0x1000, s14, s6, $0x38;
	[tilespmem:$0x14000] =	vst v63  }
0x3dd: {  	_ =	swait.ge [sflag:s26], $0x4000  }
0x3de: {  	[sflag:s26] =	ssyncset.done $0x0  }
0x3df: {  	[sflag:s26] =	ssyncadd.s32 $0xFFFFC000  }
0x3e0: {  	_ =	swait.ge [sflag:s28], $0x1000  }
0x3e1: {  	[sflag:s28] =	ssyncset.done $0x0  }
0x3e2: {  	s6 =	simm.s32 $0x0;
	s14 =	simm.s32 $0x0;
	[sflag:s28] =	ssyncadd.s32 $0xFFFFF000  }
.LBB2_51:
0x3e3: {  	s30 =	sshra.s32 s6, $0x2  }
0x3e4: {  	v0 =	vld [tilespmem:s30+$0x13270]  }
0x3e5: {  	v1 =	vld [tilespmem:s30+$0x13000]  }
0x3e6: {  	v2 =	vld [tilespmem:s30+$0x13010]  }
0x3e7: {  	v3 =	vld [tilespmem:s30+$0x13020]  }
0x3e8: {  	v4 =	vld [tilespmem:s30+$0x13030]  }
0x3e9: {  	v5 =	vld [tilespmem:s30+$0x13040]  }
0x3ea: {  	v6 =	vld [tilespmem:s30+$0x13050]  }
0x3eb: {  	v7 =	vld [tilespmem:s30+$0x13060]  }
0x3ec: {  	v8 =	vld [tilespmem:s30+$0x13070]  }
0x3ed: {  	v9 =	vld [tilespmem:s30+$0x13200]  }
0x3ee: {  	v10 =	vld [tilespmem:s30+$0x13210]  }
0x3ef: {  	v11 =	vld [tilespmem:s30+$0x13220]  }
0x3f0: {  	v12 =	vld [tilespmem:s30+$0x13230]  }
0x3f1: {  	v13 =	vld [tilespmem:s30+$0x13240]  }
0x3f2: {  	v14 =	vld [tilespmem:s30+$0x13250]  }
0x3f3: {  	[tilespmem:s30+$0xC270] =	vst.add.f32.msk $0xffff, v0  }
0x3f4: {  	v0 =	vld [tilespmem:s30+$0x13260]  }
0x3f5: {  	[tilespmem:s30+$0xC000] =	vst.add.f32.msk $0xffff, v1  }
0x3f6: {  	[tilespmem:s30+$0xC010] =	vst.add.f32.msk $0xffff, v2  }
0x3f7: {  	[tilespmem:s30+$0xC020] =	vst.add.f32.msk $0xffff, v3  }
0x3f8: {  	[tilespmem:s30+$0xC030] =	vst.add.f32.msk $0xffff, v4  }
0x3f9: {  	[tilespmem:s30+$0xC040] =	vst.add.f32.msk $0xffff, v5  }
0x3fa: {  	[tilespmem:s30+$0xC050] =	vst.add.f32.msk $0xffff, v6  }
0x3fb: {  	[tilespmem:s30+$0xC060] =	vst.add.f32.msk $0xffff, v7  }
0x3fc: {  	[tilespmem:s30+$0xC070] =	vst.add.f32.msk $0xffff, v8  }
0x3fd: {  	[tilespmem:s30+$0xC200] =	vst.add.f32.msk $0xffff, v9  }
0x3fe: {  	[tilespmem:s30+$0xC210] =	vst.add.f32.msk $0xffff, v10  }
0x3ff: {  	[tilespmem:s30+$0xC220] =	vst.add.f32.msk $0xffff, v11  }
0x400: {  	[tilespmem:s30+$0xC230] =	vst.add.f32.msk $0xffff, v12  }
0x401: {  	[tilespmem:s30+$0xC240] =	vst.add.f32.msk $0xffff, v13  }
0x402: {  	s0 =	simm.s32 $0x0;
	s4 =	sadd.s32 $0x1000, s6;
	[tilespmem:s30+$0xC250] =	vst.add.f32.msk $0xffff, v14  }
.LBB2_52:
0x403: {  	s0 =	sadd.s32 $0x10, s0;
	[tilespmem:s30+$0xC260] =	vst.add.f32.msk $0xffff, v0;
	s30 =	sshra.s32 s4, $0x2  }
0x404: {  	v0 =	vld [tilespmem:s30+$0x13270];
	p1 =	slt.u32 s0, $0x30  }
0x405: {  	v1 =	vld [tilespmem:s30+$0x13000]  }
0x406: {  	v2 =	vld [tilespmem:s30+$0x13010]  }
0x407: {  	v3 =	vld [tilespmem:s30+$0x13020]  }
0x408: {  	v4 =	vld [tilespmem:s30+$0x13030]  }
0x409: {  	[tilespmem:s30+$0xC270] =	vst.add.f32.msk $0xffff, v0  }
0x40a: {  	v5 =	vld [tilespmem:s30+$0x13040]  }
0x40b: {  	v6 =	vld [tilespmem:s30+$0x13050]  }
0x40c: {  	v7 =	vld [tilespmem:s30+$0x13060]  }
0x40d: {  	v8 =	vld [tilespmem:s30+$0x13070]  }
0x40e: {  	v9 =	vld [tilespmem:s30+$0x13200]  }
0x40f: {  	v10 =	vld [tilespmem:s30+$0x13210]  }
0x410: {  	v11 =	vld [tilespmem:s30+$0x13220]  }
0x411: {  	v12 =	vld [tilespmem:s30+$0x13230]  }
0x412: {  	v13 =	vld [tilespmem:s30+$0x13240]  }
0x413: {  	v14 =	vld [tilespmem:s30+$0x13250]  }
0x414: {  	v0 =	vld [tilespmem:s30+$0x13260]  }
0x415: {  	[tilespmem:s30+$0xC000] =	vst.add.f32.msk $0xffff, v1  }
0x416: {  	[tilespmem:s30+$0xC010] =	vst.add.f32.msk $0xffff, v2  }
0x417: {  	[tilespmem:s30+$0xC020] =	vst.add.f32.msk $0xffff, v3  }
0x418: {  	[tilespmem:s30+$0xC030] =	vst.add.f32.msk $0xffff, v4  }
0x419: {  	[tilespmem:s30+$0xC040] =	vst.add.f32.msk $0xffff, v5  }
0x41a: {  	[tilespmem:s30+$0xC050] =	vst.add.f32.msk $0xffff, v6  }
0x41b: {  	[tilespmem:s30+$0xC060] =	vst.add.f32.msk $0xffff, v7  }
0x41c: {  	[tilespmem:s30+$0xC070] =	vst.add.f32.msk $0xffff, v8  }
0x41d: {  	[tilespmem:s30+$0xC200] =	vst.add.f32.msk $0xffff, v9  }
.Ltmp26:
0x41e: {  	[tilespmem:s30+$0xC210] =	vst.add.f32.msk $0xffff, v10;
	(pc) =	sbr.rel @p1 .LBB2_52-.Ltmp26, $4  }
0x41f: {  	[tilespmem:s30+$0xC220] =	vst.add.f32.msk $0xffff, v11  }
0x420: {  	[tilespmem:s30+$0xC230] =	vst.add.f32.msk $0xffff, v12  }
0x421: {  	[tilespmem:s30+$0xC240] =	vst.add.f32.msk $0xffff, v13  }
0x422: {  	s4 =	sadd.s32 $0x1000, s4;
	[tilespmem:s30+$0xC250] =	vst.add.f32.msk $0xffff, v14  }
0x423: {  	s14 =	sadd.s32 $0x1, s14  }
0x424: {  	p1 =	sne.s32 s14, $0x4  }
.Ltmp27:
0x425: {  	_ = 	snop;
	(pc) =	sbr.rel @p1 .LBB2_51-.Ltmp27, $2  }
0x426: {  	_ =	sdelay $0x2  }
0x427: {  	[tilespmem:s30+$0xC260] =	vst.add.f32.msk $0xffff, v0;
	s6 =	sadd.s32 $0x200, s6  }
0x428: {  	s6 =	simm.s32 $0x0;
	s14 =	simm.s32 $0x0  }
.LBB2_55:
0x429: {  	s30 =	sshra.s32 s6, $0x2  }
0x42a: {  	v0 =	vld [tilespmem:s30+$0x13270]  }
0x42b: {  	v1 =	vld [tilespmem:s30+$0x13000]  }
0x42c: {  	v2 =	vld [tilespmem:s30+$0x13010]  }
0x42d: {  	v3 =	vld [tilespmem:s30+$0x13020]  }
0x42e: {  	v4 =	vld [tilespmem:s30+$0x13030]  }
0x42f: {  	v5 =	vld [tilespmem:s30+$0x13040]  }
0x430: {  	v6 =	vld [tilespmem:s30+$0x13050]  }
0x431: {  	v7 =	vld [tilespmem:s30+$0x13060]  }
0x432: {  	v8 =	vld [tilespmem:s30+$0x13070]  }
0x433: {  	v9 =	vld [tilespmem:s30+$0x13200]  }
0x434: {  	v10 =	vld [tilespmem:s30+$0x13210]  }
0x435: {  	v11 =	vld [tilespmem:s30+$0x13220]  }
0x436: {  	v12 =	vld [tilespmem:s30+$0x13230]  }
0x437: {  	v13 =	vld [tilespmem:s30+$0x13240]  }
0x438: {  	v14 =	vld [tilespmem:s30+$0x13250]  }
0x439: {  	[tilespmem:s30+$0xD270] =	vst.add.f32.msk $0xffff, v0  }
0x43a: {  	v0 =	vld [tilespmem:s30+$0x13260]  }
0x43b: {  	[tilespmem:s30+$0xD000] =	vst.add.f32.msk $0xffff, v1  }
0x43c: {  	[tilespmem:s30+$0xD010] =	vst.add.f32.msk $0xffff, v2  }
0x43d: {  	[tilespmem:s30+$0xD020] =	vst.add.f32.msk $0xffff, v3  }
0x43e: {  	[tilespmem:s30+$0xD030] =	vst.add.f32.msk $0xffff, v4  }
0x43f: {  	[tilespmem:s30+$0xD040] =	vst.add.f32.msk $0xffff, v5  }
0x440: {  	[tilespmem:s30+$0xD050] =	vst.add.f32.msk $0xffff, v6  }
0x441: {  	[tilespmem:s30+$0xD060] =	vst.add.f32.msk $0xffff, v7  }
0x442: {  	[tilespmem:s30+$0xD070] =	vst.add.f32.msk $0xffff, v8  }
0x443: {  	[tilespmem:s30+$0xD200] =	vst.add.f32.msk $0xffff, v9  }
0x444: {  	[tilespmem:s30+$0xD210] =	vst.add.f32.msk $0xffff, v10  }
0x445: {  	[tilespmem:s30+$0xD220] =	vst.add.f32.msk $0xffff, v11  }
0x446: {  	[tilespmem:s30+$0xD230] =	vst.add.f32.msk $0xffff, v12  }
0x447: {  	[tilespmem:s30+$0xD240] =	vst.add.f32.msk $0xffff, v13  }
0x448: {  	s0 =	simm.s32 $0x0;
	s4 =	sadd.s32 $0x1000, s6;
	[tilespmem:s30+$0xD250] =	vst.add.f32.msk $0xffff, v14  }
.LBB2_56:
0x449: {  	s0 =	sadd.s32 $0x10, s0;
	[tilespmem:s30+$0xD260] =	vst.add.f32.msk $0xffff, v0;
	s30 =	sshra.s32 s4, $0x2  }
0x44a: {  	v0 =	vld [tilespmem:s30+$0x13270];
	p1 =	slt.u32 s0, $0x30  }
0x44b: {  	v1 =	vld [tilespmem:s30+$0x13000]  }
0x44c: {  	v2 =	vld [tilespmem:s30+$0x13010]  }
0x44d: {  	v3 =	vld [tilespmem:s30+$0x13020]  }
0x44e: {  	v4 =	vld [tilespmem:s30+$0x13030]  }
0x44f: {  	[tilespmem:s30+$0xD270] =	vst.add.f32.msk $0xffff, v0  }
0x450: {  	v5 =	vld [tilespmem:s30+$0x13040]  }
0x451: {  	v6 =	vld [tilespmem:s30+$0x13050]  }
0x452: {  	v7 =	vld [tilespmem:s30+$0x13060]  }
0x453: {  	v8 =	vld [tilespmem:s30+$0x13070]  }
0x454: {  	v9 =	vld [tilespmem:s30+$0x13200]  }
0x455: {  	v10 =	vld [tilespmem:s30+$0x13210]  }
0x456: {  	v11 =	vld [tilespmem:s30+$0x13220]  }
0x457: {  	v12 =	vld [tilespmem:s30+$0x13230]  }
0x458: {  	v13 =	vld [tilespmem:s30+$0x13240]  }
0x459: {  	v14 =	vld [tilespmem:s30+$0x13250]  }
0x45a: {  	v0 =	vld [tilespmem:s30+$0x13260]  }
0x45b: {  	[tilespmem:s30+$0xD000] =	vst.add.f32.msk $0xffff, v1  }
0x45c: {  	[tilespmem:s30+$0xD010] =	vst.add.f32.msk $0xffff, v2  }
0x45d: {  	[tilespmem:s30+$0xD020] =	vst.add.f32.msk $0xffff, v3  }
0x45e: {  	[tilespmem:s30+$0xD030] =	vst.add.f32.msk $0xffff, v4  }
0x45f: {  	[tilespmem:s30+$0xD040] =	vst.add.f32.msk $0xffff, v5  }
0x460: {  	[tilespmem:s30+$0xD050] =	vst.add.f32.msk $0xffff, v6  }
0x461: {  	[tilespmem:s30+$0xD060] =	vst.add.f32.msk $0xffff, v7  }
0x462: {  	[tilespmem:s30+$0xD070] =	vst.add.f32.msk $0xffff, v8  }
0x463: {  	[tilespmem:s30+$0xD200] =	vst.add.f32.msk $0xffff, v9  }
.Ltmp28:
0x464: {  	[tilespmem:s30+$0xD210] =	vst.add.f32.msk $0xffff, v10;
	(pc) =	sbr.rel @p1 .LBB2_56-.Ltmp28, $4  }
0x465: {  	[tilespmem:s30+$0xD220] =	vst.add.f32.msk $0xffff, v11  }
0x466: {  	[tilespmem:s30+$0xD230] =	vst.add.f32.msk $0xffff, v12  }
0x467: {  	[tilespmem:s30+$0xD240] =	vst.add.f32.msk $0xffff, v13  }
0x468: {  	s4 =	sadd.s32 $0x1000, s4;
	[tilespmem:s30+$0xD250] =	vst.add.f32.msk $0xffff, v14  }
0x469: {  	s14 =	sadd.s32 $0x1, s14  }
0x46a: {  	p1 =	sne.s32 s14, $0x4  }
.Ltmp29:
0x46b: {  	_ = 	snop;
	(pc) =	sbr.rel @p1 .LBB2_55-.Ltmp29, $2  }
0x46c: {  	_ =	sdelay $0x2  }
0x46d: {  	[tilespmem:s30+$0xD260] =	vst.add.f32.msk $0xffff, v0;
	s6 =	sadd.s32 $0x200, s6  }
0x46e: {  	s6 =	simm.s32 $0x0;
	s14 =	simm.s32 $0x0  }
.LBB2_59:
0x46f: {  	s30 =	sshra.s32 s6, $0x2  }
0x470: {  	v0 =	vld [tilespmem:s30+$0x13270]  }
0x471: {  	v1 =	vld [tilespmem:s30+$0x13000]  }
0x472: {  	v2 =	vld [tilespmem:s30+$0x13010]  }
0x473: {  	v3 =	vld [tilespmem:s30+$0x13020]  }
0x474: {  	v4 =	vld [tilespmem:s30+$0x13030]  }
0x475: {  	v5 =	vld [tilespmem:s30+$0x13040]  }
0x476: {  	v6 =	vld [tilespmem:s30+$0x13050]  }
0x477: {  	v7 =	vld [tilespmem:s30+$0x13060]  }
0x478: {  	v8 =	vld [tilespmem:s30+$0x13070]  }
0x479: {  	v9 =	vld [tilespmem:s30+$0x13200]  }
0x47a: {  	v10 =	vld [tilespmem:s30+$0x13210]  }
0x47b: {  	v11 =	vld [tilespmem:s30+$0x13220]  }
0x47c: {  	v12 =	vld [tilespmem:s30+$0x13230]  }
0x47d: {  	v13 =	vld [tilespmem:s30+$0x13240]  }
0x47e: {  	v14 =	vld [tilespmem:s30+$0x13250]  }
0x47f: {  	[tilespmem:s30+$0xE270] =	vst.add.f32.msk $0xffff, v0  }
0x480: {  	v0 =	vld [tilespmem:s30+$0x13260]  }
0x481: {  	[tilespmem:s30+$0xE000] =	vst.add.f32.msk $0xffff, v1  }
0x482: {  	[tilespmem:s30+$0xE010] =	vst.add.f32.msk $0xffff, v2  }
0x483: {  	[tilespmem:s30+$0xE020] =	vst.add.f32.msk $0xffff, v3  }
0x484: {  	[tilespmem:s30+$0xE030] =	vst.add.f32.msk $0xffff, v4  }
0x485: {  	[tilespmem:s30+$0xE040] =	vst.add.f32.msk $0xffff, v5  }
0x486: {  	[tilespmem:s30+$0xE050] =	vst.add.f32.msk $0xffff, v6  }
0x487: {  	[tilespmem:s30+$0xE060] =	vst.add.f32.msk $0xffff, v7  }
0x488: {  	[tilespmem:s30+$0xE070] =	vst.add.f32.msk $0xffff, v8  }
0x489: {  	[tilespmem:s30+$0xE200] =	vst.add.f32.msk $0xffff, v9  }
0x48a: {  	[tilespmem:s30+$0xE210] =	vst.add.f32.msk $0xffff, v10  }
0x48b: {  	[tilespmem:s30+$0xE220] =	vst.add.f32.msk $0xffff, v11  }
0x48c: {  	[tilespmem:s30+$0xE230] =	vst.add.f32.msk $0xffff, v12  }
0x48d: {  	[tilespmem:s30+$0xE240] =	vst.add.f32.msk $0xffff, v13  }
0x48e: {  	s0 =	simm.s32 $0x0;
	s4 =	sadd.s32 $0x1000, s6;
	[tilespmem:s30+$0xE250] =	vst.add.f32.msk $0xffff, v14  }
.LBB2_60:
0x48f: {  	s0 =	sadd.s32 $0x10, s0;
	[tilespmem:s30+$0xE260] =	vst.add.f32.msk $0xffff, v0;
	s30 =	sshra.s32 s4, $0x2  }
0x490: {  	v0 =	vld [tilespmem:s30+$0x13270];
	p1 =	slt.u32 s0, $0x30  }
0x491: {  	v1 =	vld [tilespmem:s30+$0x13000]  }
0x492: {  	v2 =	vld [tilespmem:s30+$0x13010]  }
0x493: {  	v3 =	vld [tilespmem:s30+$0x13020]  }
0x494: {  	v4 =	vld [tilespmem:s30+$0x13030]  }
0x495: {  	[tilespmem:s30+$0xE270] =	vst.add.f32.msk $0xffff, v0  }
0x496: {  	v5 =	vld [tilespmem:s30+$0x13040]  }
0x497: {  	v6 =	vld [tilespmem:s30+$0x13050]  }
0x498: {  	v7 =	vld [tilespmem:s30+$0x13060]  }
0x499: {  	v8 =	vld [tilespmem:s30+$0x13070]  }
0x49a: {  	v9 =	vld [tilespmem:s30+$0x13200]  }
0x49b: {  	v10 =	vld [tilespmem:s30+$0x13210]  }
0x49c: {  	v11 =	vld [tilespmem:s30+$0x13220]  }
0x49d: {  	v12 =	vld [tilespmem:s30+$0x13230]  }
0x49e: {  	v13 =	vld [tilespmem:s30+$0x13240]  }
0x49f: {  	v14 =	vld [tilespmem:s30+$0x13250]  }
0x4a0: {  	v0 =	vld [tilespmem:s30+$0x13260]  }
0x4a1: {  	[tilespmem:s30+$0xE000] =	vst.add.f32.msk $0xffff, v1  }
0x4a2: {  	[tilespmem:s30+$0xE010] =	vst.add.f32.msk $0xffff, v2  }
0x4a3: {  	[tilespmem:s30+$0xE020] =	vst.add.f32.msk $0xffff, v3  }
0x4a4: {  	[tilespmem:s30+$0xE030] =	vst.add.f32.msk $0xffff, v4  }
0x4a5: {  	[tilespmem:s30+$0xE040] =	vst.add.f32.msk $0xffff, v5  }
0x4a6: {  	[tilespmem:s30+$0xE050] =	vst.add.f32.msk $0xffff, v6  }
0x4a7: {  	[tilespmem:s30+$0xE060] =	vst.add.f32.msk $0xffff, v7  }
0x4a8: {  	[tilespmem:s30+$0xE070] =	vst.add.f32.msk $0xffff, v8  }
0x4a9: {  	[tilespmem:s30+$0xE200] =	vst.add.f32.msk $0xffff, v9  }
.Ltmp30:
0x4aa: {  	[tilespmem:s30+$0xE210] =	vst.add.f32.msk $0xffff, v10;
	(pc) =	sbr.rel @p1 .LBB2_60-.Ltmp30, $4  }
0x4ab: {  	[tilespmem:s30+$0xE220] =	vst.add.f32.msk $0xffff, v11  }
0x4ac: {  	[tilespmem:s30+$0xE230] =	vst.add.f32.msk $0xffff, v12  }
0x4ad: {  	[tilespmem:s30+$0xE240] =	vst.add.f32.msk $0xffff, v13  }
0x4ae: {  	s4 =	sadd.s32 $0x1000, s4;
	[tilespmem:s30+$0xE250] =	vst.add.f32.msk $0xffff, v14  }
0x4af: {  	s14 =	sadd.s32 $0x1, s14  }
0x4b0: {  	p1 =	sne.s32 s14, $0x4  }
.Ltmp31:
0x4b1: {  	_ = 	snop;
	(pc) =	sbr.rel @p1 .LBB2_59-.Ltmp31, $2  }
0x4b2: {  	_ =	sdelay $0x2  }
0x4b3: {  	[tilespmem:s30+$0xE260] =	vst.add.f32.msk $0xffff, v0;
	s6 =	sadd.s32 $0x200, s6  }
0x4b4: {  	s6 =	simm.s32 $0x0;
	s14 =	simm.s32 $0x0  }
.LBB2_63:
0x4b5: {  	s30 =	sshra.s32 s6, $0x2  }
0x4b6: {  	v0 =	vld [tilespmem:s30+$0x13270]  }
0x4b7: {  	v1 =	vld [tilespmem:s30+$0x13000]  }
0x4b8: {  	v2 =	vld [tilespmem:s30+$0x13010]  }
0x4b9: {  	v3 =	vld [tilespmem:s30+$0x13020]  }
0x4ba: {  	v4 =	vld [tilespmem:s30+$0x13030]  }
0x4bb: {  	v5 =	vld [tilespmem:s30+$0x13040]  }
0x4bc: {  	v6 =	vld [tilespmem:s30+$0x13050]  }
0x4bd: {  	v7 =	vld [tilespmem:s30+$0x13060]  }
0x4be: {  	v8 =	vld [tilespmem:s30+$0x13070]  }
0x4bf: {  	v9 =	vld [tilespmem:s30+$0x13200]  }
0x4c0: {  	v10 =	vld [tilespmem:s30+$0x13210]  }
0x4c1: {  	v11 =	vld [tilespmem:s30+$0x13220]  }
0x4c2: {  	v12 =	vld [tilespmem:s30+$0x13230]  }
0x4c3: {  	v13 =	vld [tilespmem:s30+$0x13240]  }
0x4c4: {  	v14 =	vld [tilespmem:s30+$0x13250]  }
0x4c5: {  	[tilespmem:s30+$0xF270] =	vst.add.f32.msk $0xffff, v0  }
0x4c6: {  	v0 =	vld [tilespmem:s30+$0x13260]  }
0x4c7: {  	[tilespmem:s30+$0xF000] =	vst.add.f32.msk $0xffff, v1  }
0x4c8: {  	[tilespmem:s30+$0xF010] =	vst.add.f32.msk $0xffff, v2  }
0x4c9: {  	[tilespmem:s30+$0xF020] =	vst.add.f32.msk $0xffff, v3  }
0x4ca: {  	[tilespmem:s30+$0xF030] =	vst.add.f32.msk $0xffff, v4  }
0x4cb: {  	[tilespmem:s30+$0xF040] =	vst.add.f32.msk $0xffff, v5  }
0x4cc: {  	[tilespmem:s30+$0xF050] =	vst.add.f32.msk $0xffff, v6  }
0x4cd: {  	[tilespmem:s30+$0xF060] =	vst.add.f32.msk $0xffff, v7  }
0x4ce: {  	[tilespmem:s30+$0xF070] =	vst.add.f32.msk $0xffff, v8  }
0x4cf: {  	[tilespmem:s30+$0xF200] =	vst.add.f32.msk $0xffff, v9  }
0x4d0: {  	[tilespmem:s30+$0xF210] =	vst.add.f32.msk $0xffff, v10  }
0x4d1: {  	[tilespmem:s30+$0xF220] =	vst.add.f32.msk $0xffff, v11  }
0x4d2: {  	[tilespmem:s30+$0xF230] =	vst.add.f32.msk $0xffff, v12  }
0x4d3: {  	[tilespmem:s30+$0xF240] =	vst.add.f32.msk $0xffff, v13  }
0x4d4: {  	s0 =	simm.s32 $0x0;
	s4 =	sadd.s32 $0x1000, s6;
	[tilespmem:s30+$0xF250] =	vst.add.f32.msk $0xffff, v14  }
.LBB2_64:
0x4d5: {  	s0 =	sadd.s32 $0x10, s0;
	[tilespmem:s30+$0xF260] =	vst.add.f32.msk $0xffff, v0;
	s30 =	sshra.s32 s4, $0x2  }
0x4d6: {  	v0 =	vld [tilespmem:s30+$0x13270];
	p1 =	slt.u32 s0, $0x30  }
0x4d7: {  	v1 =	vld [tilespmem:s30+$0x13000]  }
0x4d8: {  	v2 =	vld [tilespmem:s30+$0x13010]  }
0x4d9: {  	v3 =	vld [tilespmem:s30+$0x13020]  }
0x4da: {  	v4 =	vld [tilespmem:s30+$0x13030]  }
0x4db: {  	[tilespmem:s30+$0xF270] =	vst.add.f32.msk $0xffff, v0  }
0x4dc: {  	v5 =	vld [tilespmem:s30+$0x13040]  }
0x4dd: {  	v6 =	vld [tilespmem:s30+$0x13050]  }
0x4de: {  	v7 =	vld [tilespmem:s30+$0x13060]  }
0x4df: {  	v8 =	vld [tilespmem:s30+$0x13070]  }
0x4e0: {  	v9 =	vld [tilespmem:s30+$0x13200]  }
0x4e1: {  	v10 =	vld [tilespmem:s30+$0x13210]  }
0x4e2: {  	v11 =	vld [tilespmem:s30+$0x13220]  }
0x4e3: {  	v12 =	vld [tilespmem:s30+$0x13230]  }
0x4e4: {  	v13 =	vld [tilespmem:s30+$0x13240]  }
0x4e5: {  	v14 =	vld [tilespmem:s30+$0x13250]  }
0x4e6: {  	v0 =	vld [tilespmem:s30+$0x13260]  }
0x4e7: {  	[tilespmem:s30+$0xF000] =	vst.add.f32.msk $0xffff, v1  }
0x4e8: {  	[tilespmem:s30+$0xF010] =	vst.add.f32.msk $0xffff, v2  }
0x4e9: {  	[tilespmem:s30+$0xF020] =	vst.add.f32.msk $0xffff, v3  }
0x4ea: {  	[tilespmem:s30+$0xF030] =	vst.add.f32.msk $0xffff, v4  }
0x4eb: {  	[tilespmem:s30+$0xF040] =	vst.add.f32.msk $0xffff, v5  }
0x4ec: {  	[tilespmem:s30+$0xF050] =	vst.add.f32.msk $0xffff, v6  }
0x4ed: {  	[tilespmem:s30+$0xF060] =	vst.add.f32.msk $0xffff, v7  }
0x4ee: {  	[tilespmem:s30+$0xF070] =	vst.add.f32.msk $0xffff, v8  }
0x4ef: {  	[tilespmem:s30+$0xF200] =	vst.add.f32.msk $0xffff, v9  }
.Ltmp32:
0x4f0: {  	[tilespmem:s30+$0xF210] =	vst.add.f32.msk $0xffff, v10;
	(pc) =	sbr.rel @p1 .LBB2_64-.Ltmp32, $4  }
0x4f1: {  	[tilespmem:s30+$0xF220] =	vst.add.f32.msk $0xffff, v11  }
0x4f2: {  	[tilespmem:s30+$0xF230] =	vst.add.f32.msk $0xffff, v12  }
0x4f3: {  	[tilespmem:s30+$0xF240] =	vst.add.f32.msk $0xffff, v13  }
0x4f4: {  	s4 =	sadd.s32 $0x1000, s4;
	[tilespmem:s30+$0xF250] =	vst.add.f32.msk $0xffff, v14  }
0x4f5: {  	s14 =	sadd.s32 $0x1, s14  }
0x4f6: {  	p1 =	sne.s32 s14, $0x4  }
.Ltmp33:
0x4f7: {  	_ = 	snop;
	(pc) =	sbr.rel @p1 .LBB2_63-.Ltmp33, $2  }
0x4f8: {  	_ =	sdelay $0x2  }
0x4f9: {  	[tilespmem:s30+$0xF260] =	vst.add.f32.msk $0xffff, v0;
	s6 =	sadd.s32 $0x200, s6  }
0x4fa: {  	s0 =	sadd.s32 s3, s13  }
0x4fb: {  	[hbm4b:s0+s23] =	stream.strided.scatter [tilespmem:s7], [sflag:$0x8], $0x1000, s24, s23, $0x38;
	[tilespmem:$0x14000] =	vst v63  }
0x4fc: {  	s4 =	sadd.s32 $0x80000, s0  }
0x4fd: {  	[hbm4b:s4+s23] =	stream.strided.scatter [tilespmem:s9], [sflag:$0x8], $0x1000, s24, s23, $0x38;
	[tilespmem:$0x14000] =	vst v63  }
.Ltmp34:
0x4fe: {  	_ = 	snop;
	(pc) =	sbr.rel @p0 .LBB2_68-.Ltmp34, $4  }
0x4ff: {  	s31 =	sadd.s32 $0x100000, s0  }
0x500: {  	[hbm4b:s31+s23] =	stream.strided.scatter [tilespmem:s29], [sflag:$0x8], $0x1000, s24, s23, $0x38;
	[tilespmem:$0x14000] =	vst v63  }
0x501: {  	s0 =	sadd.s32 $0x180000, s0  }
0x502: {  	[hbm4b:s0+s23] =	stream.strided.scatter [tilespmem:s20], [sflag:$0x8], $0x1000, s24, s23, $0x38;
	[tilespmem:$0x14000] =	vst v63  }
0x503: {  	_ =	swait.ge [sflag:s15], $0x4000  }
0x504: {  	s0 =	rddreg [dreg:$0xc]  }
0x505: {  	[sflag:s15] =	ssyncset.done $0x0;
	s0 =	sadd.s32 s12, s0  }
0x506: {  	s6 =	simm.s32 $0x4000;
	[sflag:s15] =	ssyncadd.s32 $0xFFFFC000;
	s4 =	sadd.s32 s1, s0  }
0x507: {  	[tilespmem:s6], [sflag:$0x2] =	stream.strided.gather [hbm4b:s4+s23], $0x1000, s24, s23, $0x38;
	[tilespmem:$0x14000] =	vst v63  }
0x508: {  	s31 =	simm.s32 $0x5000;
	s30 =	sadd.s32 $0x80000, s4  }
0x509: {  	[tilespmem:s31], [sflag:$0x2] =	stream.strided.gather [hbm4b:s30+s23], $0x1000, s24, s23, $0x38;
	[tilespmem:$0x14000] =	vst v63  }
0x50a: {  	s14 =	simm.s32 $0x6000;
	s13 =	sadd.s32 $0x100000, s4  }
0x50b: {  	[tilespmem:s14], [sflag:$0x2] =	stream.strided.gather [hbm4b:s13+s23], $0x1000, s24, s23, $0x38;
	[tilespmem:$0x14000] =	vst v63  }
.Ltmp35:
0x50c: {  	_ = 	snop;
	(pc) =	sbr.rel .LBB2_2-.Ltmp35, $4  }
0x50d: {  	s4 =	sadd.s32 $0x180000, s4;
	s30 =	simm.s32 $0x7000  }
0x50e: {  	[tilespmem:s30], [sflag:$0x2] =	stream.strided.gather [hbm4b:s4+s23], $0x1000, s24, s23, $0x38;
	[tilespmem:$0x14000] =	vst v63  }
0x50f: {  	s11 =	sadd.s32 $0x1, s11;
	s0 =	sadd.s32 s2, s0;
	s31 =	simm.s32 $0x11000  }
0x510: {  	[tilespmem:s31], [sflag:$0xA] =	stream.strided.gather [hbm4b:s0+s23], $0x1000, s24, s23, $0x38;
	[tilespmem:$0x14000] =	vst v63  }
.LBB2_69:
0x511: {  	_ =	sfence.sel $0x180000  }
0x512: {  	[bflag:$0x0] =	sbarrier.arrive $0xFFFF  }
0x513: {  	_ =	strace $0x90000047  }
0x514: {  	s0 =	stileid.u32;
	[bflag:$0x2] =	sbarrier.arrive $0xFFFF  }
0x515: {  	p0 =	sne.s32 s0, $0x0;
	s0 =	rddreg [dreg:$0x3]  }
0x516: {  	s0 =	sadd.s32 @!p0 $0x100000, s0  }
0x517: {  	[sflag:s0] =	ssyncadd.tile.s32 @!p0 $0x1;
	_ =	shalt  }
.Lfunc_end2:
_tile_overlayer_lowered:
.L_overlay_start_2:
0x518: {  	(tag) =	ssettag $0x2  }
0x519: {  	s0 =	rddreg [dreg:$0x0];
	s2 =	stileid.u32  }
0x51a: {  	s1 =	rddreg [dreg:$0x1];
	p0 =	sne.s32 s2, $0x0  }
0x51b: {  	s3 =	rddreg [dreg:$0x2];
	[bflag:$0x3] =	sbarrier.arrive $0xFFFF;
	s2 =	simm.s32 @!p0 $0x1C0D  }
0x51c: {  	[timem:s3], [sflag:s2] =	dma.local @!p0 [hbm:s0], s1  }
0x51d: {  	s0 =	simm.s32 @!p0 $0xD  }
0x51e: {  	_ =	swait.ge @!p0 [sflag:s0], s1  }
0x51f: {  	s1 =	ssub.s32 @!p0 $0x0, s1;
	[sflag:s0] =	ssyncset.done @!p0 $0x0  }
0x520: {  	[sflag:s0] =	ssyncadd.s32 @!p0 s1  }
0x521: {  	[bflag:$0x3] =	sbarrier.arrive $0xFFFF  }
0x522: {  	_ =	shalt  }

</sc_bundles>
